<compile_context>
chip_gen: v7x
topology: tpu7x:2x2x1
jax: 0.10.2.dev20260603
libtpu: 0.0.44.dev20260713+nightly
codegen_flags: <defaults>
</compile_context>

<pallas_src>
import jax
import jax.numpy as jnp
from jax import lax
from jax.experimental import pallas as pl
from jax.experimental.pallas import tpu as pltpu
from jax.experimental.pallas import tpu_sc as plsc

G = 16
L = 16
NUM_TILES = 16
NUM_CORES = 2
SEGS = G // NUM_CORES
N = 100000
CHUNK = 6256
NVEC = CHUNK // L
SKIP15 = (NUM_TILES * CHUNK - N) // L


def _seg_sum_body(ne_hbm, lg_hbm, b_hbm, out_hbm, stage_hbm, ne_v, lg_v, b_v,
                  part_v, all_v, stage_v, sem1, sem2, sem3):
    cid = lax.axis_index("c")
    sid = lax.axis_index("s")
    last = sid == NUM_TILES - 1
    base = jnp.where(last, N - CHUNK, sid * CHUNK)
    c1 = pltpu.async_copy(ne_hbm.at[pl.ds(base, CHUNK)], ne_v, sem1)
    c2 = pltpu.async_copy(lg_hbm.at[pl.ds(base, CHUNK)], lg_v, sem2)
    c3 = pltpu.async_copy(b_hbm.at[pl.ds(base, CHUNK)], b_v, sem3)
    c1.wait()
    c2.wait()
    c3.wait()

    zero = jnp.zeros((L,), jnp.float32)
    seg0 = cid * SEGS

    def acc_one(off, accs):
        e = ne_v[pl.ds(off, L)] * lg_v[pl.ds(off, L)]
        b = b_v[pl.ds(off, L)]
        return tuple(acc + jnp.where(b == seg0 + g, e, zero)
                     for g, acc in enumerate(accs))

    def body(i, accs):
        accs = acc_one(i * (2 * L), accs)
        return acc_one(i * (2 * L) + L, accs)

    lb = jnp.where(last, SKIP15 // 2, 0)
    accs = lax.fori_loop(lb, NVEC // 2, body,
                         tuple(zero for _ in range(SEGS)))
    accs = acc_one((NVEC - 1) * L, accs)

    for g in range(SEGS):
        all_v[g] = accs[g]
    rows = jnp.bitwise_and(lax.iota(jnp.int32, L), SEGS - 1)
    total = zero
    for l in range(L):
        total = total + plsc.load_gather(
            all_v, [rows, jnp.full((L,), l, jnp.int32)])
    part_v[...] = total

    srow = (cid * NUM_TILES + sid) * L
    pltpu.sync_copy(part_v, stage_hbm.at[pl.ds(srow, L)])
    plsc.subcore_barrier()

    @pl.when(sid == 0)
    def _():
        pltpu.sync_copy(stage_hbm.at[pl.ds(cid * NUM_TILES * L,
                                           NUM_TILES * L)], stage_v)
        tot = stage_v[pl.ds(0, L)]
        for t in range(1, NUM_TILES):
            tot = tot + stage_v[pl.ds(t * L, L)]
        part_v[...] = tot
        pltpu.sync_copy(part_v.at[pl.ds(0, SEGS)],
                        out_hbm.at[pl.ds(cid * SEGS, SEGS)])


@jax.jit
def _segment_energy(ne, lg, b):
    mesh = plsc.VectorSubcoreMesh(core_axis_name="c", subcore_axis_name="s")
    f = pl.kernel(
        _seg_sum_body,
        out_type=[
            jax.ShapeDtypeStruct((G,), jnp.float32),
            jax.ShapeDtypeStruct((NUM_CORES * NUM_TILES * L,), jnp.float32),
        ],
        mesh=mesh,
        scratch_types=[
            pltpu.VMEM((CHUNK,), jnp.float32),
            pltpu.VMEM((CHUNK,), jnp.float32),
            pltpu.VMEM((CHUNK,), jnp.int32),
            pltpu.VMEM((L,), jnp.float32),
            pltpu.VMEM((SEGS, L), jnp.float32),
            pltpu.VMEM((NUM_TILES * L,), jnp.float32),
            pltpu.SemaphoreType.DMA,
            pltpu.SemaphoreType.DMA,
            pltpu.SemaphoreType.DMA,
        ],
        compiler_params=pltpu.CompilerParams(needs_layout_passes=False),
    )
    return f(ne, lg, b)[0]


def kernel(node_energy, local_or_ghost, batch, ptr, positions, cell, forces):
    total_energy_local = _segment_energy(node_energy, local_or_ghost,
                                         batch.astype(jnp.int32))
    virials = jnp.zeros_like(cell)
    return (total_energy_local, node_energy, forces, virials)

# --- scband reference (transcript-rebuilt; emitter-appended) ---
"""Pipeline reference for scband-lammps-bam-3178275799312 (READ-ONLY COPY).

The authoritative reference and input builder live on the scoring server;
editing this copy changes nothing except your own understanding.
"""

import jax, jax.numpy as jnp
import numpy as np

N = 100000
G = 16


def setup_inputs(seed: int = 0) -> dict:
    key = jax.random.key(seed)
    k1, k2, k3, k4, k5, k6 = jax.random.split(key, 6)
    node_energy = jax.random.normal(k1, (N,), dtype=jnp.float32)
    local_or_ghost = jax.random.uniform(k2, (N,), dtype=jnp.float32)
    batch = jnp.sort(jax.random.randint(k3, (N,), 0, G, dtype=jnp.int64))
    ptr = jnp.arange(G + 1, dtype=jnp.int64)
    positions = jax.random.normal(k4, (N, 3), dtype=jnp.float32)
    cell = jax.random.normal(k5, (G, 3, 3), dtype=jnp.float32)
    forces = jax.random.normal(k6, (N, 3), dtype=jnp.float32)
    return {
        "node_energy": node_energy,
        "local_or_ghost": local_or_ghost,
        "batch": batch,
        "ptr": ptr,
        "positions": positions,
        "cell": cell,
        "forces": forces,
    }


def reference(node_energy, local_or_ghost, batch, ptr, positions, cell, forces):
    # num_graphs = ptr.numel() - 1 (static under jit)
    num_graphs = ptr.shape[0] - 1
    # node_energy_local = node_energy * local_or_ghost  (mask out ghost atoms)
    node_energy_local = node_energy * local_or_ghost
    # scatter_sum(src=node_energy_local, index=batch, dim_size=num_graphs)
    total_energy_local = jax.ops.segment_sum(
        node_energy_local, batch, num_segments=num_graphs
    )
    # compute_virials=False path: virials returned as zeros_like(cell)
    virials = jnp.zeros_like(cell)
    return (total_energy_local, node_energy, forces, virials)

if __name__ == "__main__":
    import jax
    _d = setup_inputs()
    print(jax.jit(kernel)(*tuple(_d.values())))

</pallas_src>

<mosaic_0001>
#map = affine_map<(d0, d1) -> (0)>
module attributes {stable_mosaic.version = 14 : i64} {
  func.func @_seg_sum_body(%arg0: i32, %arg1: i32, %arg2: memref<100000xf32, #tpu.memory_space<hbm>>, %arg3: memref<100000xf32, #tpu.memory_space<hbm>>, %arg4: memref<100000xi32, #tpu.memory_space<hbm>>, %arg5: memref<16xf32, #tpu.memory_space<hbm>>, %arg6: memref<512xf32, #tpu.memory_space<hbm>>, %arg7: memref<6256xf32, #tpu.memory_space<vmem>>, %arg8: memref<6256xf32, #tpu.memory_space<vmem>>, %arg9: memref<6256xi32, #tpu.memory_space<vmem>>, %arg10: memref<16xf32, #tpu.memory_space<vmem>>, %arg11: memref<8x16xf32, #tpu.memory_space<vmem>>, %arg12: memref<256xf32, #tpu.memory_space<vmem>>, %arg13: memref<!tpu.dma_semaphore, #tpu.memory_space<semaphore_mem>>, %arg14: memref<!tpu.dma_semaphore, #tpu.memory_space<semaphore_mem>>, %arg15: memref<!tpu.dma_semaphore, #tpu.memory_space<semaphore_mem>>) attributes {dimension_semantics = [#tpu.dimension_semantics<core_parallel>, #tpu.dimension_semantics<subcore_parallel>], iteration_bounds = array<i64: 2, 16>, scalar_prefetch = 0 : i64, scratch_operands = 9 : i64, tpu.core_type = #tpu.core_type<sc_vector_subcore>, window_params = [{transform_indices = #map}, {transform_indices = #map}, {transform_indices = #map}, {transform_indices = #map}, {transform_indices = #map}]} {
    %eq3A = arith.constant 15 : i32
    %eq3A_0 = arith.cmpi eq, %arg1, %eq3A : i32
    %mul3A = arith.constant 6256 : i32
    %mul3A_1 = arith.muli %arg1, %mul3A : i32
    %jit3A = arith.constant 93744 : i32
    %select_n3A = arith.select %eq3A_0, %jit3A, %mul3A_1 : i32
    %dma_start3A = tpu.memref_slice %arg2[%select_n3A] : memref<100000xf32, #tpu.memory_space<hbm>> -> memref<6256xf32, #tpu.memory_space<hbm>>
    %dma_start3A_2 = tpu.memref_slice %arg2[%select_n3A] : memref<100000xf32, #tpu.memory_space<hbm>> -> memref<6256xf32, #tpu.memory_space<hbm>>
    tpu.enqueue_dma source(%dma_start3A_2 : memref<6256xf32, #tpu.memory_space<hbm>>) target(%arg7 : memref<6256xf32, #tpu.memory_space<vmem>>) target_semaphore(%arg13 : memref<!tpu.dma_semaphore, #tpu.memory_space<semaphore_mem>>)
    %dma_start3A_3 = tpu.memref_slice %arg3[%select_n3A] : memref<100000xf32, #tpu.memory_space<hbm>> -> memref<6256xf32, #tpu.memory_space<hbm>>
    %dma_start3A_4 = tpu.memref_slice %arg3[%select_n3A] : memref<100000xf32, #tpu.memory_space<hbm>> -> memref<6256xf32, #tpu.memory_space<hbm>>
    tpu.enqueue_dma source(%dma_start3A_4 : memref<6256xf32, #tpu.memory_space<hbm>>) target(%arg8 : memref<6256xf32, #tpu.memory_space<vmem>>) target_semaphore(%arg14 : memref<!tpu.dma_semaphore, #tpu.memory_space<semaphore_mem>>)
    %dma_start3A_5 = tpu.memref_slice %arg4[%select_n3A] : memref<100000xi32, #tpu.memory_space<hbm>> -> memref<6256xi32, #tpu.memory_space<hbm>>
    %dma_start3A_6 = tpu.memref_slice %arg4[%select_n3A] : memref<100000xi32, #tpu.memory_space<hbm>> -> memref<6256xi32, #tpu.memory_space<hbm>>
    tpu.enqueue_dma source(%dma_start3A_6 : memref<6256xi32, #tpu.memory_space<hbm>>) target(%arg9 : memref<6256xi32, #tpu.memory_space<vmem>>) target_semaphore(%arg15 : memref<!tpu.dma_semaphore, #tpu.memory_space<semaphore_mem>>)
    %dma_wait3A = tpu.memref_slice %arg2[%select_n3A] : memref<100000xf32, #tpu.memory_space<hbm>> -> memref<6256xf32, #tpu.memory_space<hbm>>
    %dma_wait3A_7 = tpu.memref_slice %arg2[%select_n3A] : memref<100000xf32, #tpu.memory_space<hbm>> -> memref<6256xf32, #tpu.memory_space<hbm>>
    tpu.wait_dma2 semaphore(%arg13 : memref<!tpu.dma_semaphore, #tpu.memory_space<semaphore_mem>>) src(%dma_wait3A_7 : memref<6256xf32, #tpu.memory_space<hbm>>) dst(%arg7 : memref<6256xf32, #tpu.memory_space<vmem>>)
    %dma_wait3A_8 = tpu.memref_slice %arg3[%select_n3A] : memref<100000xf32, #tpu.memory_space<hbm>> -> memref<6256xf32, #tpu.memory_space<hbm>>
    %dma_wait3A_9 = tpu.memref_slice %arg3[%select_n3A] : memref<100000xf32, #tpu.memory_space<hbm>> -> memref<6256xf32, #tpu.memory_space<hbm>>
    tpu.wait_dma2 semaphore(%arg14 : memref<!tpu.dma_semaphore, #tpu.memory_space<semaphore_mem>>) src(%dma_wait3A_9 : memref<6256xf32, #tpu.memory_space<hbm>>) dst(%arg8 : memref<6256xf32, #tpu.memory_space<vmem>>)
    %dma_wait3A_10 = tpu.memref_slice %arg4[%select_n3A] : memref<100000xi32, #tpu.memory_space<hbm>> -> memref<6256xi32, #tpu.memory_space<hbm>>
    %dma_wait3A_11 = tpu.memref_slice %arg4[%select_n3A] : memref<100000xi32, #tpu.memory_space<hbm>> -> memref<6256xi32, #tpu.memory_space<hbm>>
    tpu.wait_dma2 semaphore(%arg15 : memref<!tpu.dma_semaphore, #tpu.memory_space<semaphore_mem>>) src(%dma_wait3A_11 : memref<6256xi32, #tpu.memory_space<hbm>>) dst(%arg9 : memref<6256xi32, #tpu.memory_space<vmem>>)
    %broadcast_in_dim3A = arith.constant 0.000000e+00 : f32
    %broadcast_in_dim3A_12 = vector.broadcast %broadcast_in_dim3A : f32 to vector<16xf32>
    %mul3A_13 = arith.constant 8 : i32
    %mul3A_14 = arith.muli %arg0, %mul3A_13 : i32
    %jit3A_15 = arith.constant 3 : i32
    %jit3A_16 = arith.constant 0 : i32
    %select_n3A_17 = arith.select %eq3A_0, %jit3A_15, %jit3A_16 : i32
    %while3A = arith.constant 195 : i32
    %while3A_18 = arith.subi %while3A, %select_n3A_17 : i32
    %while3A_19 = arith.addi %select_n3A_17, %while3A_18 : i32
    %while3A_20 = arith.constant 1 : i32
    %while3A_21 = arith.divsi %while3A_18, %while3A_20 : i32
    %while3A_22 = arith.muli %while3A_21, %while3A_20 : i32
    %while3A_23 = arith.addi %select_n3A_17, %while3A_22 : i32
    %while3A_24 = arith.constant 1 : i32
    %while3A_25:8 = scf.for %while3A_187 = %select_n3A_17 to %while3A_23 step %while3A_24 iter_args(%while3A_188 = %broadcast_in_dim3A_12, %while3A_189 = %broadcast_in_dim3A_12, %while3A_190 = %broadcast_in_dim3A_12, %while3A_191 = %broadcast_in_dim3A_12, %while3A_192 = %broadcast_in_dim3A_12, %while3A_193 = %broadcast_in_dim3A_12, %while3A_194 = %broadcast_in_dim3A_12, %while3A_195 = %broadcast_in_dim3A_12) -> (vector<16xf32>, vector<16xf32>, vector<16xf32>, vector<16xf32>, vector<16xf32>, vector<16xf32>, vector<16xf32>, vector<16xf32>)  : i32 {
      %mul3A_196 = arith.constant 32 : i32
      %mul3A_197 = arith.muli %while3A_187, %mul3A_196 : i32
      %get3A_198 = arith.index_cast %mul3A_197 : i32 to index
      %get3A_199 = tpu.vector_load %arg7[%get3A_198] {strides = array<i32>} : memref<6256xf32, #tpu.memory_space<vmem>>, vector<16xf32>,
      %get3A_200 = arith.index_cast %mul3A_197 : i32 to index
      %get3A_201 = tpu.vector_load %arg8[%get3A_200] {strides = array<i32>} : memref<6256xf32, #tpu.memory_space<vmem>>, vector<16xf32>,
      %mul3A_202 = arith.mulf %get3A_199, %get3A_201 : vector<16xf32>
      %get3A_203 = arith.index_cast %mul3A_197 : i32 to index
      %get3A_204 = tpu.vector_load %arg9[%get3A_203] {strides = array<i32>} : memref<6256xi32, #tpu.memory_space<vmem>>, vector<16xi32>,
      %add3A_205 = arith.constant 0 : i32
      %add3A_206 = arith.addi %mul3A_14, %add3A_205 : i32
      %eq3A_207 = vector.broadcast %add3A_206 : i32 to vector<16xi32>
      %eq3A_208 = arith.cmpi eq, %get3A_204, %eq3A_207 : vector<16xi32>
      %select_n3A_209 = arith.select %eq3A_208, %mul3A_202, %broadcast_in_dim3A_12 : vector<16xi1>, vector<16xf32>
      %add3A_210 = arith.addf %while3A_188, %select_n3A_209 : vector<16xf32>
      %add3A_211 = arith.constant 1 : i32
      %add3A_212 = arith.addi %mul3A_14, %add3A_211 : i32
      %eq3A_213 = vector.broadcast %add3A_212 : i32 to vector<16xi32>
      %eq3A_214 = arith.cmpi eq, %get3A_204, %eq3A_213 : vector<16xi32>
      %select_n3A_215 = arith.select %eq3A_214, %mul3A_202, %broadcast_in_dim3A_12 : vector<16xi1>, vector<16xf32>
      %add3A_216 = arith.addf %while3A_189, %select_n3A_215 : vector<16xf32>
      %add3A_217 = arith.constant 2 : i32
      %add3A_218 = arith.addi %mul3A_14, %add3A_217 : i32
      %eq3A_219 = vector.broadcast %add3A_218 : i32 to vector<16xi32>
      %eq3A_220 = arith.cmpi eq, %get3A_204, %eq3A_219 : vector<16xi32>
      %select_n3A_221 = arith.select %eq3A_220, %mul3A_202, %broadcast_in_dim3A_12 : vector<16xi1>, vector<16xf32>
      %add3A_222 = arith.addf %while3A_190, %select_n3A_221 : vector<16xf32>
      %add3A_223 = arith.constant 3 : i32
      %add3A_224 = arith.addi %mul3A_14, %add3A_223 : i32
      %eq3A_225 = vector.broadcast %add3A_224 : i32 to vector<16xi32>
      %eq3A_226 = arith.cmpi eq, %get3A_204, %eq3A_225 : vector<16xi32>
      %select_n3A_227 = arith.select %eq3A_226, %mul3A_202, %broadcast_in_dim3A_12 : vector<16xi1>, vector<16xf32>
      %add3A_228 = arith.addf %while3A_191, %select_n3A_227 : vector<16xf32>
      %add3A_229 = arith.constant 4 : i32
      %add3A_230 = arith.addi %mul3A_14, %add3A_229 : i32
      %eq3A_231 = vector.broadcast %add3A_230 : i32 to vector<16xi32>
      %eq3A_232 = arith.cmpi eq, %get3A_204, %eq3A_231 : vector<16xi32>
      %select_n3A_233 = arith.select %eq3A_232, %mul3A_202, %broadcast_in_dim3A_12 : vector<16xi1>, vector<16xf32>
      %add3A_234 = arith.addf %while3A_192, %select_n3A_233 : vector<16xf32>
      %add3A_235 = arith.constant 5 : i32
      %add3A_236 = arith.addi %mul3A_14, %add3A_235 : i32
      %eq3A_237 = vector.broadcast %add3A_236 : i32 to vector<16xi32>
      %eq3A_238 = arith.cmpi eq, %get3A_204, %eq3A_237 : vector<16xi32>
      %select_n3A_239 = arith.select %eq3A_238, %mul3A_202, %broadcast_in_dim3A_12 : vector<16xi1>, vector<16xf32>
      %add3A_240 = arith.addf %while3A_193, %select_n3A_239 : vector<16xf32>
      %add3A_241 = arith.constant 6 : i32
      %add3A_242 = arith.addi %mul3A_14, %add3A_241 : i32
      %eq3A_243 = vector.broadcast %add3A_242 : i32 to vector<16xi32>
      %eq3A_244 = arith.cmpi eq, %get3A_204, %eq3A_243 : vector<16xi32>
      %select_n3A_245 = arith.select %eq3A_244, %mul3A_202, %broadcast_in_dim3A_12 : vector<16xi1>, vector<16xf32>
      %add3A_246 = arith.addf %while3A_194, %select_n3A_245 : vector<16xf32>
      %add3A_247 = arith.constant 7 : i32
      %add3A_248 = arith.addi %mul3A_14, %add3A_247 : i32
      %eq3A_249 = vector.broadcast %add3A_248 : i32 to vector<16xi32>
      %eq3A_250 = arith.cmpi eq, %get3A_204, %eq3A_249 : vector<16xi32>
      %select_n3A_251 = arith.select %eq3A_250, %mul3A_202, %broadcast_in_dim3A_12 : vector<16xi1>, vector<16xf32>
      %add3A_252 = arith.addf %while3A_195, %select_n3A_251 : vector<16xf32>
      %mul3A_253 = arith.constant 32 : i32
      %mul3A_254 = arith.muli %while3A_187, %mul3A_253 : i32
      %add3A_255 = arith.constant 16 : i32
      %add3A_256 = arith.addi %mul3A_254, %add3A_255 : i32
      %get3A_257 = arith.index_cast %add3A_256 : i32 to index
      %get3A_258 = tpu.vector_load %arg7[%get3A_257] {strides = array<i32>} : memref<6256xf32, #tpu.memory_space<vmem>>, vector<16xf32>,
      %get3A_259 = arith.index_cast %add3A_256 : i32 to index
      %get3A_260 = tpu.vector_load %arg8[%get3A_259] {strides = array<i32>} : memref<6256xf32, #tpu.memory_space<vmem>>, vector<16xf32>,
      %mul3A_261 = arith.mulf %get3A_258, %get3A_260 : vector<16xf32>
      %get3A_262 = arith.index_cast %add3A_256 : i32 to index
      %get3A_263 = tpu.vector_load %arg9[%get3A_262] {strides = array<i32>} : memref<6256xi32, #tpu.memory_space<vmem>>, vector<16xi32>,
      %add3A_264 = arith.constant 0 : i32
      %add3A_265 = arith.addi %mul3A_14, %add3A_264 : i32
      %eq3A_266 = vector.broadcast %add3A_265 : i32 to vector<16xi32>
      %eq3A_267 = arith.cmpi eq, %get3A_263, %eq3A_266 : vector<16xi32>
      %select_n3A_268 = arith.select %eq3A_267, %mul3A_261, %broadcast_in_dim3A_12 : vector<16xi1>, vector<16xf32>
      %add3A_269 = arith.addf %add3A_210, %select_n3A_268 : vector<16xf32>
      %add3A_270 = arith.constant 1 : i32
      %add3A_271 = arith.addi %mul3A_14, %add3A_270 : i32
      %eq3A_272 = vector.broadcast %add3A_271 : i32 to vector<16xi32>
      %eq3A_273 = arith.cmpi eq, %get3A_263, %eq3A_272 : vector<16xi32>
      %select_n3A_274 = arith.select %eq3A_273, %mul3A_261, %broadcast_in_dim3A_12 : vector<16xi1>, vector<16xf32>
      %add3A_275 = arith.addf %add3A_216, %select_n3A_274 : vector<16xf32>
      %add3A_276 = arith.constant 2 : i32
      %add3A_277 = arith.addi %mul3A_14, %add3A_276 : i32
      %eq3A_278 = vector.broadcast %add3A_277 : i32 to vector<16xi32>
      %eq3A_279 = arith.cmpi eq, %get3A_263, %eq3A_278 : vector<16xi32>
      %select_n3A_280 = arith.select %eq3A_279, %mul3A_261, %broadcast_in_dim3A_12 : vector<16xi1>, vector<16xf32>
      %add3A_281 = arith.addf %add3A_222, %select_n3A_280 : vector<16xf32>
      %add3A_282 = arith.constant 3 : i32
      %add3A_283 = arith.addi %mul3A_14, %add3A_282 : i32
      %eq3A_284 = vector.broadcast %add3A_283 : i32 to vector<16xi32>
      %eq3A_285 = arith.cmpi eq, %get3A_263, %eq3A_284 : vector<16xi32>
      %select_n3A_286 = arith.select %eq3A_285, %mul3A_261, %broadcast_in_dim3A_12 : vector<16xi1>, vector<16xf32>
      %add3A_287 = arith.addf %add3A_228, %select_n3A_286 : vector<16xf32>
      %add3A_288 = arith.constant 4 : i32
      %add3A_289 = arith.addi %mul3A_14, %add3A_288 : i32
      %eq3A_290 = vector.broadcast %add3A_289 : i32 to vector<16xi32>
      %eq3A_291 = arith.cmpi eq, %get3A_263, %eq3A_290 : vector<16xi32>
      %select_n3A_292 = arith.select %eq3A_291, %mul3A_261, %broadcast_in_dim3A_12 : vector<16xi1>, vector<16xf32>
      %add3A_293 = arith.addf %add3A_234, %select_n3A_292 : vector<16xf32>
      %add3A_294 = arith.constant 5 : i32
      %add3A_295 = arith.addi %mul3A_14, %add3A_294 : i32
      %eq3A_296 = vector.broadcast %add3A_295 : i32 to vector<16xi32>
      %eq3A_297 = arith.cmpi eq, %get3A_263, %eq3A_296 : vector<16xi32>
      %select_n3A_298 = arith.select %eq3A_297, %mul3A_261, %broadcast_in_dim3A_12 : vector<16xi1>, vector<16xf32>
      %add3A_299 = arith.addf %add3A_240, %select_n3A_298 : vector<16xf32>
      %add3A_300 = arith.constant 6 : i32
      %add3A_301 = arith.addi %mul3A_14, %add3A_300 : i32
      %eq3A_302 = vector.broadcast %add3A_301 : i32 to vector<16xi32>
      %eq3A_303 = arith.cmpi eq, %get3A_263, %eq3A_302 : vector<16xi32>
      %select_n3A_304 = arith.select %eq3A_303, %mul3A_261, %broadcast_in_dim3A_12 : vector<16xi1>, vector<16xf32>
      %add3A_305 = arith.addf %add3A_246, %select_n3A_304 : vector<16xf32>
      %add3A_306 = arith.constant 7 : i32
      %add3A_307 = arith.addi %mul3A_14, %add3A_306 : i32
      %eq3A_308 = vector.broadcast %add3A_307 : i32 to vector<16xi32>
      %eq3A_309 = arith.cmpi eq, %get3A_263, %eq3A_308 : vector<16xi32>
      %select_n3A_310 = arith.select %eq3A_309, %mul3A_261, %broadcast_in_dim3A_12 : vector<16xi1>, vector<16xf32>
      %add3A_311 = arith.addf %add3A_252, %select_n3A_310 : vector<16xf32>
      scf.yield %add3A_269, %add3A_275, %add3A_281, %add3A_287, %add3A_293, %add3A_299, %add3A_305, %add3A_311 : vector<16xf32>, vector<16xf32>, vector<16xf32>, vector<16xf32>, vector<16xf32>, vector<16xf32>, vector<16xf32>, vector<16xf32>
    }
    %while3A_26 = arith.constant 1 : i32
    %while3A_27:8 = scf.for %while3A_187 = %while3A_23 to %while3A_19 step %while3A_26 iter_args(%while3A_188 = %while3A_25#0, %while3A_189 = %while3A_25#1, %while3A_190 = %while3A_25#2, %while3A_191 = %while3A_25#3, %while3A_192 = %while3A_25#4, %while3A_193 = %while3A_25#5, %while3A_194 = %while3A_25#6, %while3A_195 = %while3A_25#7) -> (vector<16xf32>, vector<16xf32>, vector<16xf32>, vector<16xf32>, vector<16xf32>, vector<16xf32>, vector<16xf32>, vector<16xf32>)  : i32 {
      %mul3A_196 = arith.constant 32 : i32
      %mul3A_197 = arith.muli %while3A_187, %mul3A_196 : i32
      %get3A_198 = arith.index_cast %mul3A_197 : i32 to index
      %get3A_199 = tpu.vector_load %arg7[%get3A_198] {strides = array<i32>} : memref<6256xf32, #tpu.memory_space<vmem>>, vector<16xf32>,
      %get3A_200 = arith.index_cast %mul3A_197 : i32 to index
      %get3A_201 = tpu.vector_load %arg8[%get3A_200] {strides = array<i32>} : memref<6256xf32, #tpu.memory_space<vmem>>, vector<16xf32>,
      %mul3A_202 = arith.mulf %get3A_199, %get3A_201 : vector<16xf32>
      %get3A_203 = arith.index_cast %mul3A_197 : i32 to index
      %get3A_204 = tpu.vector_load %arg9[%get3A_203] {strides = array<i32>} : memref<6256xi32, #tpu.memory_space<vmem>>, vector<16xi32>,
      %add3A_205 = arith.constant 0 : i32
      %add3A_206 = arith.addi %mul3A_14, %add3A_205 : i32
      %eq3A_207 = vector.broadcast %add3A_206 : i32 to vector<16xi32>
      %eq3A_208 = arith.cmpi eq, %get3A_204, %eq3A_207 : vector<16xi32>
      %select_n3A_209 = arith.select %eq3A_208, %mul3A_202, %broadcast_in_dim3A_12 : vector<16xi1>, vector<16xf32>
      %add3A_210 = arith.addf %while3A_188, %select_n3A_209 : vector<16xf32>
      %add3A_211 = arith.constant 1 : i32
      %add3A_212 = arith.addi %mul3A_14, %add3A_211 : i32
      %eq3A_213 = vector.broadcast %add3A_212 : i32 to vector<16xi32>
      %eq3A_214 = arith.cmpi eq, %get3A_204, %eq3A_213 : vector<16xi32>
      %select_n3A_215 = arith.select %eq3A_214, %mul3A_202, %broadcast_in_dim3A_12 : vector<16xi1>, vector<16xf32>
      %add3A_216 = arith.addf %while3A_189, %select_n3A_215 : vector<16xf32>
      %add3A_217 = arith.constant 2 : i32
      %add3A_218 = arith.addi %mul3A_14, %add3A_217 : i32
      %eq3A_219 = vector.broadcast %add3A_218 : i32 to vector<16xi32>
      %eq3A_220 = arith.cmpi eq, %get3A_204, %eq3A_219 : vector<16xi32>
      %select_n3A_221 = arith.select %eq3A_220, %mul3A_202, %broadcast_in_dim3A_12 : vector<16xi1>, vector<16xf32>
      %add3A_222 = arith.addf %while3A_190, %select_n3A_221 : vector<16xf32>
      %add3A_223 = arith.constant 3 : i32
      %add3A_224 = arith.addi %mul3A_14, %add3A_223 : i32
      %eq3A_225 = vector.broadcast %add3A_224 : i32 to vector<16xi32>
      %eq3A_226 = arith.cmpi eq, %get3A_204, %eq3A_225 : vector<16xi32>
      %select_n3A_227 = arith.select %eq3A_226, %mul3A_202, %broadcast_in_dim3A_12 : vector<16xi1>, vector<16xf32>
      %add3A_228 = arith.addf %while3A_191, %select_n3A_227 : vector<16xf32>
      %add3A_229 = arith.constant 4 : i32
      %add3A_230 = arith.addi %mul3A_14, %add3A_229 : i32
      %eq3A_231 = vector.broadcast %add3A_230 : i32 to vector<16xi32>
      %eq3A_232 = arith.cmpi eq, %get3A_204, %eq3A_231 : vector<16xi32>
      %select_n3A_233 = arith.select %eq3A_232, %mul3A_202, %broadcast_in_dim3A_12 : vector<16xi1>, vector<16xf32>
      %add3A_234 = arith.addf %while3A_192, %select_n3A_233 : vector<16xf32>
      %add3A_235 = arith.constant 5 : i32
      %add3A_236 = arith.addi %mul3A_14, %add3A_235 : i32
      %eq3A_237 = vector.broadcast %add3A_236 : i32 to vector<16xi32>
      %eq3A_238 = arith.cmpi eq, %get3A_204, %eq3A_237 : vector<16xi32>
      %select_n3A_239 = arith.select %eq3A_238, %mul3A_202, %broadcast_in_dim3A_12 : vector<16xi1>, vector<16xf32>
      %add3A_240 = arith.addf %while3A_193, %select_n3A_239 : vector<16xf32>
      %add3A_241 = arith.constant 6 : i32
      %add3A_242 = arith.addi %mul3A_14, %add3A_241 : i32
      %eq3A_243 = vector.broadcast %add3A_242 : i32 to vector<16xi32>
      %eq3A_244 = arith.cmpi eq, %get3A_204, %eq3A_243 : vector<16xi32>
      %select_n3A_245 = arith.select %eq3A_244, %mul3A_202, %broadcast_in_dim3A_12 : vector<16xi1>, vector<16xf32>
      %add3A_246 = arith.addf %while3A_194, %select_n3A_245 : vector<16xf32>
      %add3A_247 = arith.constant 7 : i32
      %add3A_248 = arith.addi %mul3A_14, %add3A_247 : i32
      %eq3A_249 = vector.broadcast %add3A_248 : i32 to vector<16xi32>
      %eq3A_250 = arith.cmpi eq, %get3A_204, %eq3A_249 : vector<16xi32>
      %select_n3A_251 = arith.select %eq3A_250, %mul3A_202, %broadcast_in_dim3A_12 : vector<16xi1>, vector<16xf32>
      %add3A_252 = arith.addf %while3A_195, %select_n3A_251 : vector<16xf32>
      %mul3A_253 = arith.constant 32 : i32
      %mul3A_254 = arith.muli %while3A_187, %mul3A_253 : i32
      %add3A_255 = arith.constant 16 : i32
      %add3A_256 = arith.addi %mul3A_254, %add3A_255 : i32
      %get3A_257 = arith.index_cast %add3A_256 : i32 to index
      %get3A_258 = tpu.vector_load %arg7[%get3A_257] {strides = array<i32>} : memref<6256xf32, #tpu.memory_space<vmem>>, vector<16xf32>,
      %get3A_259 = arith.index_cast %add3A_256 : i32 to index
      %get3A_260 = tpu.vector_load %arg8[%get3A_259] {strides = array<i32>} : memref<6256xf32, #tpu.memory_space<vmem>>, vector<16xf32>,
      %mul3A_261 = arith.mulf %get3A_258, %get3A_260 : vector<16xf32>
      %get3A_262 = arith.index_cast %add3A_256 : i32 to index
      %get3A_263 = tpu.vector_load %arg9[%get3A_262] {strides = array<i32>} : memref<6256xi32, #tpu.memory_space<vmem>>, vector<16xi32>,
      %add3A_264 = arith.constant 0 : i32
      %add3A_265 = arith.addi %mul3A_14, %add3A_264 : i32
      %eq3A_266 = vector.broadcast %add3A_265 : i32 to vector<16xi32>
      %eq3A_267 = arith.cmpi eq, %get3A_263, %eq3A_266 : vector<16xi32>
      %select_n3A_268 = arith.select %eq3A_267, %mul3A_261, %broadcast_in_dim3A_12 : vector<16xi1>, vector<16xf32>
      %add3A_269 = arith.addf %add3A_210, %select_n3A_268 : vector<16xf32>
      %add3A_270 = arith.constant 1 : i32
      %add3A_271 = arith.addi %mul3A_14, %add3A_270 : i32
      %eq3A_272 = vector.broadcast %add3A_271 : i32 to vector<16xi32>
      %eq3A_273 = arith.cmpi eq, %get3A_263, %eq3A_272 : vector<16xi32>
      %select_n3A_274 = arith.select %eq3A_273, %mul3A_261, %broadcast_in_dim3A_12 : vector<16xi1>, vector<16xf32>
      %add3A_275 = arith.addf %add3A_216, %select_n3A_274 : vector<16xf32>
      %add3A_276 = arith.constant 2 : i32
      %add3A_277 = arith.addi %mul3A_14, %add3A_276 : i32
      %eq3A_278 = vector.broadcast %add3A_277 : i32 to vector<16xi32>
      %eq3A_279 = arith.cmpi eq, %get3A_263, %eq3A_278 : vector<16xi32>
      %select_n3A_280 = arith.select %eq3A_279, %mul3A_261, %broadcast_in_dim3A_12 : vector<16xi1>, vector<16xf32>
      %add3A_281 = arith.addf %add3A_222, %select_n3A_280 : vector<16xf32>
      %add3A_282 = arith.constant 3 : i32
      %add3A_283 = arith.addi %mul3A_14, %add3A_282 : i32
      %eq3A_284 = vector.broadcast %add3A_283 : i32 to vector<16xi32>
      %eq3A_285 = arith.cmpi eq, %get3A_263, %eq3A_284 : vector<16xi32>
      %select_n3A_286 = arith.select %eq3A_285, %mul3A_261, %broadcast_in_dim3A_12 : vector<16xi1>, vector<16xf32>
      %add3A_287 = arith.addf %add3A_228, %select_n3A_286 : vector<16xf32>
      %add3A_288 = arith.constant 4 : i32
      %add3A_289 = arith.addi %mul3A_14, %add3A_288 : i32
      %eq3A_290 = vector.broadcast %add3A_289 : i32 to vector<16xi32>
      %eq3A_291 = arith.cmpi eq, %get3A_263, %eq3A_290 : vector<16xi32>
      %select_n3A_292 = arith.select %eq3A_291, %mul3A_261, %broadcast_in_dim3A_12 : vector<16xi1>, vector<16xf32>
      %add3A_293 = arith.addf %add3A_234, %select_n3A_292 : vector<16xf32>
      %add3A_294 = arith.constant 5 : i32
      %add3A_295 = arith.addi %mul3A_14, %add3A_294 : i32
      %eq3A_296 = vector.broadcast %add3A_295 : i32 to vector<16xi32>
      %eq3A_297 = arith.cmpi eq, %get3A_263, %eq3A_296 : vector<16xi32>
      %select_n3A_298 = arith.select %eq3A_297, %mul3A_261, %broadcast_in_dim3A_12 : vector<16xi1>, vector<16xf32>
      %add3A_299 = arith.addf %add3A_240, %select_n3A_298 : vector<16xf32>
      %add3A_300 = arith.constant 6 : i32
      %add3A_301 = arith.addi %mul3A_14, %add3A_300 : i32
      %eq3A_302 = vector.broadcast %add3A_301 : i32 to vector<16xi32>
      %eq3A_303 = arith.cmpi eq, %get3A_263, %eq3A_302 : vector<16xi32>
      %select_n3A_304 = arith.select %eq3A_303, %mul3A_261, %broadcast_in_dim3A_12 : vector<16xi1>, vector<16xf32>
      %add3A_305 = arith.addf %add3A_246, %select_n3A_304 : vector<16xf32>
      %add3A_306 = arith.constant 7 : i32
      %add3A_307 = arith.addi %mul3A_14, %add3A_306 : i32
      %eq3A_308 = vector.broadcast %add3A_307 : i32 to vector<16xi32>
      %eq3A_309 = arith.cmpi eq, %get3A_263, %eq3A_308 : vector<16xi32>
      %select_n3A_310 = arith.select %eq3A_309, %mul3A_261, %broadcast_in_dim3A_12 : vector<16xi1>, vector<16xf32>
      %add3A_311 = arith.addf %add3A_252, %select_n3A_310 : vector<16xf32>
      scf.yield %add3A_269, %add3A_275, %add3A_281, %add3A_287, %add3A_293, %add3A_299, %add3A_305, %add3A_311 : vector<16xf32>, vector<16xf32>, vector<16xf32>, vector<16xf32>, vector<16xf32>, vector<16xf32>, vector<16xf32>, vector<16xf32>
    }
    %get3A = arith.constant 6240 : index
    %get3A_28 = tpu.vector_load %arg7[%get3A] {strides = array<i32>} : memref<6256xf32, #tpu.memory_space<vmem>>, vector<16xf32>,
    %get3A_29 = arith.constant 6240 : index
    %get3A_30 = tpu.vector_load %arg8[%get3A_29] {strides = array<i32>} : memref<6256xf32, #tpu.memory_space<vmem>>, vector<16xf32>,
    %mul3A_31 = arith.mulf %get3A_28, %get3A_30 : vector<16xf32>
    %get3A_32 = arith.constant 6240 : index
    %get3A_33 = tpu.vector_load %arg9[%get3A_32] {strides = array<i32>} : memref<6256xi32, #tpu.memory_space<vmem>>, vector<16xi32>,
    %add3A = arith.constant 0 : i32
    %add3A_34 = arith.addi %mul3A_14, %add3A : i32
    %eq3A_35 = vector.broadcast %add3A_34 : i32 to vector<16xi32>
    %eq3A_36 = arith.cmpi eq, %get3A_33, %eq3A_35 : vector<16xi32>
    %select_n3A_37 = arith.select %eq3A_36, %mul3A_31, %broadcast_in_dim3A_12 : vector<16xi1>, vector<16xf32>
    %add3A_38 = arith.addf %while3A_27#0, %select_n3A_37 : vector<16xf32>
    %add3A_39 = arith.constant 1 : i32
    %add3A_40 = arith.addi %mul3A_14, %add3A_39 : i32
    %eq3A_41 = vector.broadcast %add3A_40 : i32 to vector<16xi32>
    %eq3A_42 = arith.cmpi eq, %get3A_33, %eq3A_41 : vector<16xi32>
    %select_n3A_43 = arith.select %eq3A_42, %mul3A_31, %broadcast_in_dim3A_12 : vector<16xi1>, vector<16xf32>
    %add3A_44 = arith.addf %while3A_27#1, %select_n3A_43 : vector<16xf32>
    %add3A_45 = arith.constant 2 : i32
    %add3A_46 = arith.addi %mul3A_14, %add3A_45 : i32
    %eq3A_47 = vector.broadcast %add3A_46 : i32 to vector<16xi32>
    %eq3A_48 = arith.cmpi eq, %get3A_33, %eq3A_47 : vector<16xi32>
    %select_n3A_49 = arith.select %eq3A_48, %mul3A_31, %broadcast_in_dim3A_12 : vector<16xi1>, vector<16xf32>
    %add3A_50 = arith.addf %while3A_27#2, %select_n3A_49 : vector<16xf32>
    %add3A_51 = arith.constant 3 : i32
    %add3A_52 = arith.addi %mul3A_14, %add3A_51 : i32
    %eq3A_53 = vector.broadcast %add3A_52 : i32 to vector<16xi32>
    %eq3A_54 = arith.cmpi eq, %get3A_33, %eq3A_53 : vector<16xi32>
    %select_n3A_55 = arith.select %eq3A_54, %mul3A_31, %broadcast_in_dim3A_12 : vector<16xi1>, vector<16xf32>
    %add3A_56 = arith.addf %while3A_27#3, %select_n3A_55 : vector<16xf32>
    %add3A_57 = arith.constant 4 : i32
    %add3A_58 = arith.addi %mul3A_14, %add3A_57 : i32
    %eq3A_59 = vector.broadcast %add3A_58 : i32 to vector<16xi32>
    %eq3A_60 = arith.cmpi eq, %get3A_33, %eq3A_59 : vector<16xi32>
    %select_n3A_61 = arith.select %eq3A_60, %mul3A_31, %broadcast_in_dim3A_12 : vector<16xi1>, vector<16xf32>
    %add3A_62 = arith.addf %while3A_27#4, %select_n3A_61 : vector<16xf32>
    %add3A_63 = arith.constant 5 : i32
    %add3A_64 = arith.addi %mul3A_14, %add3A_63 : i32
    %eq3A_65 = vector.broadcast %add3A_64 : i32 to vector<16xi32>
    %eq3A_66 = arith.cmpi eq, %get3A_33, %eq3A_65 : vector<16xi32>
    %select_n3A_67 = arith.select %eq3A_66, %mul3A_31, %broadcast_in_dim3A_12 : vector<16xi1>, vector<16xf32>
    %add3A_68 = arith.addf %while3A_27#5, %select_n3A_67 : vector<16xf32>
    %add3A_69 = arith.constant 6 : i32
    %add3A_70 = arith.addi %mul3A_14, %add3A_69 : i32
    %eq3A_71 = vector.broadcast %add3A_70 : i32 to vector<16xi32>
    %eq3A_72 = arith.cmpi eq, %get3A_33, %eq3A_71 : vector<16xi32>
    %select_n3A_73 = arith.select %eq3A_72, %mul3A_31, %broadcast_in_dim3A_12 : vector<16xi1>, vector<16xf32>
    %add3A_74 = arith.addf %while3A_27#6, %select_n3A_73 : vector<16xf32>
    %add3A_75 = arith.constant 7 : i32
    %add3A_76 = arith.addi %mul3A_14, %add3A_75 : i32
    %eq3A_77 = vector.broadcast %add3A_76 : i32 to vector<16xi32>
    %eq3A_78 = arith.cmpi eq, %get3A_33, %eq3A_77 : vector<16xi32>
    %select_n3A_79 = arith.select %eq3A_78, %mul3A_31, %broadcast_in_dim3A_12 : vector<16xi1>, vector<16xf32>
    %add3A_80 = arith.addf %while3A_27#7, %select_n3A_79 : vector<16xf32>
    %swap3A = arith.constant 0 : i32
    %swap3A_81 = arith.index_cast %swap3A : i32 to index
    %swap3A_82 = arith.constant 0 : index
    %swap3A_83 = tpu.vector_load %arg11[%swap3A_81, %swap3A_82] {strides = array<i32>} : memref<8x16xf32, #tpu.memory_space<vmem>>, vector<16xf32>,
    tpu.vector_store %arg11[%swap3A_81, %swap3A_82], %add3A_38 {strides = array<i32>} : memref<8x16xf32, #tpu.memory_space<vmem>>, vector<16xf32>,
    %swap3A_84 = arith.constant 1 : i32
    %swap3A_85 = arith.index_cast %swap3A_84 : i32 to index
    %swap3A_86 = arith.constant 0 : index
    %swap3A_87 = tpu.vector_load %arg11[%swap3A_85, %swap3A_86] {strides = array<i32>} : memref<8x16xf32, #tpu.memory_space<vmem>>, vector<16xf32>,
    tpu.vector_store %arg11[%swap3A_85, %swap3A_86], %add3A_44 {strides = array<i32>} : memref<8x16xf32, #tpu.memory_space<vmem>>, vector<16xf32>,
    %swap3A_88 = arith.constant 2 : i32
    %swap3A_89 = arith.index_cast %swap3A_88 : i32 to index
    %swap3A_90 = arith.constant 0 : index
    %swap3A_91 = tpu.vector_load %arg11[%swap3A_89, %swap3A_90] {strides = array<i32>} : memref<8x16xf32, #tpu.memory_space<vmem>>, vector<16xf32>,
    tpu.vector_store %arg11[%swap3A_89, %swap3A_90], %add3A_50 {strides = array<i32>} : memref<8x16xf32, #tpu.memory_space<vmem>>, vector<16xf32>,
    %swap3A_92 = arith.constant 3 : i32
    %swap3A_93 = arith.index_cast %swap3A_92 : i32 to index
    %swap3A_94 = arith.constant 0 : index
    %swap3A_95 = tpu.vector_load %arg11[%swap3A_93, %swap3A_94] {strides = array<i32>} : memref<8x16xf32, #tpu.memory_space<vmem>>, vector<16xf32>,
    tpu.vector_store %arg11[%swap3A_93, %swap3A_94], %add3A_56 {strides = array<i32>} : memref<8x16xf32, #tpu.memory_space<vmem>>, vector<16xf32>,
    %swap3A_96 = arith.constant 4 : i32
    %swap3A_97 = arith.index_cast %swap3A_96 : i32 to index
    %swap3A_98 = arith.constant 0 : index
    %swap3A_99 = tpu.vector_load %arg11[%swap3A_97, %swap3A_98] {strides = array<i32>} : memref<8x16xf32, #tpu.memory_space<vmem>>, vector<16xf32>,
    tpu.vector_store %arg11[%swap3A_97, %swap3A_98], %add3A_62 {strides = array<i32>} : memref<8x16xf32, #tpu.memory_space<vmem>>, vector<16xf32>,
    %swap3A_100 = arith.constant 5 : i32
    %swap3A_101 = arith.index_cast %swap3A_100 : i32 to index
    %swap3A_102 = arith.constant 0 : index
    %swap3A_103 = tpu.vector_load %arg11[%swap3A_101, %swap3A_102] {strides = array<i32>} : memref<8x16xf32, #tpu.memory_space<vmem>>, vector<16xf32>,
    tpu.vector_store %arg11[%swap3A_101, %swap3A_102], %add3A_68 {strides = array<i32>} : memref<8x16xf32, #tpu.memory_space<vmem>>, vector<16xf32>,
    %swap3A_104 = arith.constant 6 : i32
    %swap3A_105 = arith.index_cast %swap3A_104 : i32 to index
    %swap3A_106 = arith.constant 0 : index
    %swap3A_107 = tpu.vector_load %arg11[%swap3A_105, %swap3A_106] {strides = array<i32>} : memref<8x16xf32, #tpu.memory_space<vmem>>, vector<16xf32>,
    tpu.vector_store %arg11[%swap3A_105, %swap3A_106], %add3A_74 {strides = array<i32>} : memref<8x16xf32, #tpu.memory_space<vmem>>, vector<16xf32>,
    %swap3A_108 = arith.constant 7 : i32
    %swap3A_109 = arith.index_cast %swap3A_108 : i32 to index
    %swap3A_110 = arith.constant 0 : index
    %swap3A_111 = tpu.vector_load %arg11[%swap3A_109, %swap3A_110] {strides = array<i32>} : memref<8x16xf32, #tpu.memory_space<vmem>>, vector<16xf32>,
    tpu.vector_store %arg11[%swap3A_109, %swap3A_110], %add3A_80 {strides = array<i32>} : memref<8x16xf32, #tpu.memory_space<vmem>>, vector<16xf32>,
    %iota3A = tpu.iota {dimensions = array<i32: 0>} : vector<16xi32>
    %and3A = arith.constant 7 : i32
    %and3A_112 = vector.broadcast %and3A : i32 to vector<16xi32>
    %and3A_113 = arith.andi %iota3A, %and3A_112 : vector<16xi32>
    %broadcast_in_dim3A_114 = arith.constant 0 : i32
    %broadcast_in_dim3A_115 = vector.broadcast %broadcast_in_dim3A_114 : i32 to vector<16xi32>
    %gather3A = tpu.vector_load_idx %arg11[%and3A_113, %broadcast_in_dim3A_115] : memref<8x16xf32, #tpu.memory_space<vmem>>[vector<16xi32>, vector<16xi32>], vector<16xf32>,
    %add3A_116 = arith.addf %broadcast_in_dim3A_12, %gather3A : vector<16xf32>
    %broadcast_in_dim3A_117 = arith.constant 1 : i32
    %broadcast_in_dim3A_118 = vector.broadcast %broadcast_in_dim3A_117 : i32 to vector<16xi32>
    %gather3A_119 = tpu.vector_load_idx %arg11[%and3A_113, %broadcast_in_dim3A_118] : memref<8x16xf32, #tpu.memory_space<vmem>>[vector<16xi32>, vector<16xi32>], vector<16xf32>,
    %add3A_120 = arith.addf %add3A_116, %gather3A_119 : vector<16xf32>
    %broadcast_in_dim3A_121 = arith.constant 2 : i32
    %broadcast_in_dim3A_122 = vector.broadcast %broadcast_in_dim3A_121 : i32 to vector<16xi32>
    %gather3A_123 = tpu.vector_load_idx %arg11[%and3A_113, %broadcast_in_dim3A_122] : memref<8x16xf32, #tpu.memory_space<vmem>>[vector<16xi32>, vector<16xi32>], vector<16xf32>,
    %add3A_124 = arith.addf %add3A_120, %gather3A_123 : vector<16xf32>
    %broadcast_in_dim3A_125 = arith.constant 3 : i32
    %broadcast_in_dim3A_126 = vector.broadcast %broadcast_in_dim3A_125 : i32 to vector<16xi32>
    %gather3A_127 = tpu.vector_load_idx %arg11[%and3A_113, %broadcast_in_dim3A_126] : memref<8x16xf32, #tpu.memory_space<vmem>>[vector<16xi32>, vector<16xi32>], vector<16xf32>,
    %add3A_128 = arith.addf %add3A_124, %gather3A_127 : vector<16xf32>
    %broadcast_in_dim3A_129 = arith.constant 4 : i32
    %broadcast_in_dim3A_130 = vector.broadcast %broadcast_in_dim3A_129 : i32 to vector<16xi32>
    %gather3A_131 = tpu.vector_load_idx %arg11[%and3A_113, %broadcast_in_dim3A_130] : memref<8x16xf32, #tpu.memory_space<vmem>>[vector<16xi32>, vector<16xi32>], vector<16xf32>,
    %add3A_132 = arith.addf %add3A_128, %gather3A_131 : vector<16xf32>
    %broadcast_in_dim3A_133 = arith.constant 5 : i32
    %broadcast_in_dim3A_134 = vector.broadcast %broadcast_in_dim3A_133 : i32 to vector<16xi32>
    %gather3A_135 = tpu.vector_load_idx %arg11[%and3A_113, %broadcast_in_dim3A_134] : memref<8x16xf32, #tpu.memory_space<vmem>>[vector<16xi32>, vector<16xi32>], vector<16xf32>,
    %add3A_136 = arith.addf %add3A_132, %gather3A_135 : vector<16xf32>
    %broadcast_in_dim3A_137 = arith.constant 6 : i32
    %broadcast_in_dim3A_138 = vector.broadcast %broadcast_in_dim3A_137 : i32 to vector<16xi32>
    %gather3A_139 = tpu.vector_load_idx %arg11[%and3A_113, %broadcast_in_dim3A_138] : memref<8x16xf32, #tpu.memory_space<vmem>>[vector<16xi32>, vector<16xi32>], vector<16xf32>,
    %add3A_140 = arith.addf %add3A_136, %gather3A_139 : vector<16xf32>
    %broadcast_in_dim3A_141 = arith.constant 7 : i32
    %broadcast_in_dim3A_142 = vector.broadcast %broadcast_in_dim3A_141 : i32 to vector<16xi32>
    %gather3A_143 = tpu.vector_load_idx %arg11[%and3A_113, %broadcast_in_dim3A_142] : memref<8x16xf32, #tpu.memory_space<vmem>>[vector<16xi32>, vector<16xi32>], vector<16xf32>,
    %add3A_144 = arith.addf %add3A_140, %gather3A_143 : vector<16xf32>
    %broadcast_in_dim3A_145 = arith.constant 8 : i32
    %broadcast_in_dim3A_146 = vector.broadcast %broadcast_in_dim3A_145 : i32 to vector<16xi32>
    %gather3A_147 = tpu.vector_load_idx %arg11[%and3A_113, %broadcast_in_dim3A_146] : memref<8x16xf32, #tpu.memory_space<vmem>>[vector<16xi32>, vector<16xi32>], vector<16xf32>,
    %add3A_148 = arith.addf %add3A_144, %gather3A_147 : vector<16xf32>
    %broadcast_in_dim3A_149 = arith.constant 9 : i32
    %broadcast_in_dim3A_150 = vector.broadcast %broadcast_in_dim3A_149 : i32 to vector<16xi32>
    %gather3A_151 = tpu.vector_load_idx %arg11[%and3A_113, %broadcast_in_dim3A_150] : memref<8x16xf32, #tpu.memory_space<vmem>>[vector<16xi32>, vector<16xi32>], vector<16xf32>,
    %add3A_152 = arith.addf %add3A_148, %gather3A_151 : vector<16xf32>
    %broadcast_in_dim3A_153 = arith.constant 10 : i32
    %broadcast_in_dim3A_154 = vector.broadcast %broadcast_in_dim3A_153 : i32 to vector<16xi32>
    %gather3A_155 = tpu.vector_load_idx %arg11[%and3A_113, %broadcast_in_dim3A_154] : memref<8x16xf32, #tpu.memory_space<vmem>>[vector<16xi32>, vector<16xi32>], vector<16xf32>,
    %add3A_156 = arith.addf %add3A_152, %gather3A_155 : vector<16xf32>
    %broadcast_in_dim3A_157 = arith.constant 11 : i32
    %broadcast_in_dim3A_158 = vector.broadcast %broadcast_in_dim3A_157 : i32 to vector<16xi32>
    %gather3A_159 = tpu.vector_load_idx %arg11[%and3A_113, %broadcast_in_dim3A_158] : memref<8x16xf32, #tpu.memory_space<vmem>>[vector<16xi32>, vector<16xi32>], vector<16xf32>,
    %add3A_160 = arith.addf %add3A_156, %gather3A_159 : vector<16xf32>
    %broadcast_in_dim3A_161 = arith.constant 12 : i32
    %broadcast_in_dim3A_162 = vector.broadcast %broadcast_in_dim3A_161 : i32 to vector<16xi32>
    %gather3A_163 = tpu.vector_load_idx %arg11[%and3A_113, %broadcast_in_dim3A_162] : memref<8x16xf32, #tpu.memory_space<vmem>>[vector<16xi32>, vector<16xi32>], vector<16xf32>,
    %add3A_164 = arith.addf %add3A_160, %gather3A_163 : vector<16xf32>
    %broadcast_in_dim3A_165 = arith.constant 13 : i32
    %broadcast_in_dim3A_166 = vector.broadcast %broadcast_in_dim3A_165 : i32 to vector<16xi32>
    %gather3A_167 = tpu.vector_load_idx %arg11[%and3A_113, %broadcast_in_dim3A_166] : memref<8x16xf32, #tpu.memory_space<vmem>>[vector<16xi32>, vector<16xi32>], vector<16xf32>,
    %add3A_168 = arith.addf %add3A_164, %gather3A_167 : vector<16xf32>
    %broadcast_in_dim3A_169 = arith.constant 14 : i32
    %broadcast_in_dim3A_170 = vector.broadcast %broadcast_in_dim3A_169 : i32 to vector<16xi32>
    %gather3A_171 = tpu.vector_load_idx %arg11[%and3A_113, %broadcast_in_dim3A_170] : memref<8x16xf32, #tpu.memory_space<vmem>>[vector<16xi32>, vector<16xi32>], vector<16xf32>,
    %add3A_172 = arith.addf %add3A_168, %gather3A_171 : vector<16xf32>
    %broadcast_in_dim3A_173 = arith.constant 15 : i32
    %broadcast_in_dim3A_174 = vector.broadcast %broadcast_in_dim3A_173 : i32 to vector<16xi32>
    %gather3A_175 = tpu.vector_load_idx %arg11[%and3A_113, %broadcast_in_dim3A_174] : memref<8x16xf32, #tpu.memory_space<vmem>>[vector<16xi32>, vector<16xi32>], vector<16xf32>,
    %add3A_176 = arith.addf %add3A_172, %gather3A_175 : vector<16xf32>
    %swap3A_177 = arith.constant 0 : index
    %swap3A_178 = tpu.vector_load %arg10[%swap3A_177] {strides = array<i32>} : memref<16xf32, #tpu.memory_space<vmem>>, vector<16xf32>,
    tpu.vector_store %arg10[%swap3A_177], %add3A_176 {strides = array<i32>} : memref<16xf32, #tpu.memory_space<vmem>>, vector<16xf32>,
    %mul3A_179 = arith.constant 16 : i32
    %mul3A_180 = arith.muli %arg0, %mul3A_179 : i32
    %add3A_181 = arith.addi %mul3A_180, %arg1 : i32
    %mul3A_182 = arith.constant 16 : i32
    %mul3A_183 = arith.muli %add3A_181, %mul3A_182 : i32
    "tpu.region"() ({
      %run_scoped3A = tpu.sem_alloc : memref<!tpu.dma_semaphore, #tpu.memory_space<semaphore_mem>>
      %dma_start3A_187 = tpu.memref_slice %arg6[%mul3A_183] : memref<512xf32, #tpu.memory_space<hbm>> -> memref<16xf32, #tpu.memory_space<hbm>>
      %dma_start3A_188 = tpu.memref_slice %arg6[%mul3A_183] : memref<512xf32, #tpu.memory_space<hbm>> -> memref<16xf32, #tpu.memory_space<hbm>>
      tpu.enqueue_dma source(%arg10 : memref<16xf32, #tpu.memory_space<vmem>>) target(%dma_start3A_188 : memref<16xf32, #tpu.memory_space<hbm>>) target_semaphore(%run_scoped3A : memref<!tpu.dma_semaphore, #tpu.memory_space<semaphore_mem>>)
      %dma_wait3A_189 = tpu.memref_slice %arg6[%mul3A_183] : memref<512xf32, #tpu.memory_space<hbm>> -> memref<16xf32, #tpu.memory_space<hbm>>
      %dma_wait3A_190 = tpu.memref_slice %arg6[%mul3A_183] : memref<512xf32, #tpu.memory_space<hbm>> -> memref<16xf32, #tpu.memory_space<hbm>>
      tpu.wait_dma2 semaphore(%run_scoped3A : memref<!tpu.dma_semaphore, #tpu.memory_space<semaphore_mem>>) src(%arg10 : memref<16xf32, #tpu.memory_space<vmem>>) dst(%dma_wait3A_190 : memref<16xf32, #tpu.memory_space<hbm>>)
      tpu.yield
    }) : () -> ()
    %barrier3A = arith.constant 0 : index
    tpu.barrier barrier_id(%barrier3A)
    %eq3A_184 = arith.constant 0 : i32
    %eq3A_185 = arith.cmpi eq, %arg1, %eq3A_184 : i32
    %convert_element_type3A = arith.extui %eq3A_185 : i1 to i32
    %cond3A = arith.constant 0 : i32
    %cond3A_186 = arith.cmpi ne, %convert_element_type3A, %cond3A : i32
    scf.if %cond3A_186 {
      %mul3A_187 = arith.constant 16 : i32
      %mul3A_188 = arith.muli %arg0, %mul3A_187 : i32
      %mul3A_189 = arith.constant 16 : i32
      %mul3A_190 = arith.muli %mul3A_188, %mul3A_189 : i32
      "tpu.region"() ({
        %run_scoped3A = tpu.sem_alloc : memref<!tpu.dma_semaphore, #tpu.memory_space<semaphore_mem>>
        %dma_start3A_242 = tpu.memref_slice %arg6[%mul3A_190] : memref<512xf32, #tpu.memory_space<hbm>> -> memref<256xf32, #tpu.memory_space<hbm>>
        %dma_start3A_243 = tpu.memref_slice %arg6[%mul3A_190] : memref<512xf32, #tpu.memory_space<hbm>> -> memref<256xf32, #tpu.memory_space<hbm>>
        tpu.enqueue_dma source(%dma_start3A_243 : memref<256xf32, #tpu.memory_space<hbm>>) target(%arg12 : memref<256xf32, #tpu.memory_space<vmem>>) target_semaphore(%run_scoped3A : memref<!tpu.dma_semaphore, #tpu.memory_space<semaphore_mem>>)
        %dma_wait3A_244 = tpu.memref_slice %arg6[%mul3A_190] : memref<512xf32, #tpu.memory_space<hbm>> -> memref<256xf32, #tpu.memory_space<hbm>>
        %dma_wait3A_245 = tpu.memref_slice %arg6[%mul3A_190] : memref<512xf32, #tpu.memory_space<hbm>> -> memref<256xf32, #tpu.memory_space<hbm>>
        tpu.wait_dma2 semaphore(%run_scoped3A : memref<!tpu.dma_semaphore, #tpu.memory_space<semaphore_mem>>) src(%dma_wait3A_245 : memref<256xf32, #tpu.memory_space<hbm>>) dst(%arg12 : memref<256xf32, #tpu.memory_space<vmem>>)
        tpu.yield
      }) : () -> ()
      %get3A_191 = arith.constant 0 : index
      %get3A_192 = tpu.vector_load %arg12[%get3A_191] {strides = array<i32>} : memref<256xf32, #tpu.memory_space<vmem>>, vector<16xf32>,
      %get3A_193 = arith.constant 16 : index
      %get3A_194 = tpu.vector_load %arg12[%get3A_193] {strides = array<i32>} : memref<256xf32, #tpu.memory_space<vmem>>, vector<16xf32>,
      %add3A_195 = arith.addf %get3A_192, %get3A_194 : vector<16xf32>
      %get3A_196 = arith.constant 32 : index
      %get3A_197 = tpu.vector_load %arg12[%get3A_196] {strides = array<i32>} : memref<256xf32, #tpu.memory_space<vmem>>, vector<16xf32>,
      %add3A_198 = arith.addf %add3A_195, %get3A_197 : vector<16xf32>
      %get3A_199 = arith.constant 48 : index
      %get3A_200 = tpu.vector_load %arg12[%get3A_199] {strides = array<i32>} : memref<256xf32, #tpu.memory_space<vmem>>, vector<16xf32>,
      %add3A_201 = arith.addf %add3A_198, %get3A_200 : vector<16xf32>
      %get3A_202 = arith.constant 64 : index
      %get3A_203 = tpu.vector_load %arg12[%get3A_202] {strides = array<i32>} : memref<256xf32, #tpu.memory_space<vmem>>, vector<16xf32>,
      %add3A_204 = arith.addf %add3A_201, %get3A_203 : vector<16xf32>
      %get3A_205 = arith.constant 80 : index
      %get3A_206 = tpu.vector_load %arg12[%get3A_205] {strides = array<i32>} : memref<256xf32, #tpu.memory_space<vmem>>, vector<16xf32>,
      %add3A_207 = arith.addf %add3A_204, %get3A_206 : vector<16xf32>
      %get3A_208 = arith.constant 96 : index
      %get3A_209 = tpu.vector_load %arg12[%get3A_208] {strides = array<i32>} : memref<256xf32, #tpu.memory_space<vmem>>, vector<16xf32>,
      %add3A_210 = arith.addf %add3A_207, %get3A_209 : vector<16xf32>
      %get3A_211 = arith.constant 112 : index
      %get3A_212 = tpu.vector_load %arg12[%get3A_211] {strides = array<i32>} : memref<256xf32, #tpu.memory_space<vmem>>, vector<16xf32>,
      %add3A_213 = arith.addf %add3A_210, %get3A_212 : vector<16xf32>
      %get3A_214 = arith.constant 128 : index
      %get3A_215 = tpu.vector_load %arg12[%get3A_214] {strides = array<i32>} : memref<256xf32, #tpu.memory_space<vmem>>, vector<16xf32>,
      %add3A_216 = arith.addf %add3A_213, %get3A_215 : vector<16xf32>
      %get3A_217 = arith.constant 144 : index
      %get3A_218 = tpu.vector_load %arg12[%get3A_217] {strides = array<i32>} : memref<256xf32, #tpu.memory_space<vmem>>, vector<16xf32>,
      %add3A_219 = arith.addf %add3A_216, %get3A_218 : vector<16xf32>
      %get3A_220 = arith.constant 160 : index
      %get3A_221 = tpu.vector_load %arg12[%get3A_220] {strides = array<i32>} : memref<256xf32, #tpu.memory_space<vmem>>, vector<16xf32>,
      %add3A_222 = arith.addf %add3A_219, %get3A_221 : vector<16xf32>
      %get3A_223 = arith.constant 176 : index
      %get3A_224 = tpu.vector_load %arg12[%get3A_223] {strides = array<i32>} : memref<256xf32, #tpu.memory_space<vmem>>, vector<16xf32>,
      %add3A_225 = arith.addf %add3A_222, %get3A_224 : vector<16xf32>
      %get3A_226 = arith.constant 192 : index
      %get3A_227 = tpu.vector_load %arg12[%get3A_226] {strides = array<i32>} : memref<256xf32, #tpu.memory_space<vmem>>, vector<16xf32>,
      %add3A_228 = arith.addf %add3A_225, %get3A_227 : vector<16xf32>
      %get3A_229 = arith.constant 208 : index
      %get3A_230 = tpu.vector_load %arg12[%get3A_229] {strides = array<i32>} : memref<256xf32, #tpu.memory_space<vmem>>, vector<16xf32>,
      %add3A_231 = arith.addf %add3A_228, %get3A_230 : vector<16xf32>
      %get3A_232 = arith.constant 224 : index
      %get3A_233 = tpu.vector_load %arg12[%get3A_232] {strides = array<i32>} : memref<256xf32, #tpu.memory_space<vmem>>, vector<16xf32>,
      %add3A_234 = arith.addf %add3A_231, %get3A_233 : vector<16xf32>
      %get3A_235 = arith.constant 240 : index
      %get3A_236 = tpu.vector_load %arg12[%get3A_235] {strides = array<i32>} : memref<256xf32, #tpu.memory_space<vmem>>, vector<16xf32>,
      %add3A_237 = arith.addf %add3A_234, %get3A_236 : vector<16xf32>
      %swap3A_238 = arith.constant 0 : index
      %swap3A_239 = tpu.vector_load %arg10[%swap3A_238] {strides = array<i32>} : memref<16xf32, #tpu.memory_space<vmem>>, vector<16xf32>,
      tpu.vector_store %arg10[%swap3A_238], %add3A_237 {strides = array<i32>} : memref<16xf32, #tpu.memory_space<vmem>>, vector<16xf32>,
      %mul3A_240 = arith.constant 8 : i32
      %mul3A_241 = arith.muli %arg0, %mul3A_240 : i32
      "tpu.region"() ({
        %run_scoped3A = tpu.sem_alloc : memref<!tpu.dma_semaphore, #tpu.memory_space<semaphore_mem>>
        %dma_start3A_242 = arith.constant 0 : i32
        %dma_start3A_243 = tpu.memref_slice %arg10[%dma_start3A_242] : memref<16xf32, #tpu.memory_space<vmem>> -> memref<8xf32, #tpu.memory_space<vmem>>
        %dma_start3A_244 = tpu.memref_slice %arg5[%mul3A_241] : memref<16xf32, #tpu.memory_space<hbm>> -> memref<8xf32, #tpu.memory_space<hbm>>
        %dma_start3A_245 = tpu.memref_slice %arg5[%mul3A_241] : memref<16xf32, #tpu.memory_space<hbm>> -> memref<8xf32, #tpu.memory_space<hbm>>
        %dma_start3A_246 = arith.constant 0 : i32
        %dma_start3A_247 = tpu.memref_slice %arg10[%dma_start3A_246] : memref<16xf32, #tpu.memory_space<vmem>> -> memref<8xf32, #tpu.memory_space<vmem>>
        tpu.enqueue_dma source(%dma_start3A_247 : memref<8xf32, #tpu.memory_space<vmem>>) target(%dma_start3A_245 : memref<8xf32, #tpu.memory_space<hbm>>) target_semaphore(%run_scoped3A : memref<!tpu.dma_semaphore, #tpu.memory_space<semaphore_mem>>)
        %dma_wait3A_248 = arith.constant 0 : i32
        %dma_wait3A_249 = tpu.memref_slice %arg10[%dma_wait3A_248] : memref<16xf32, #tpu.memory_space<vmem>> -> memref<8xf32, #tpu.memory_space<vmem>>
        %dma_wait3A_250 = tpu.memref_slice %arg5[%mul3A_241] : memref<16xf32, #tpu.memory_space<hbm>> -> memref<8xf32, #tpu.memory_space<hbm>>
        %dma_wait3A_251 = tpu.memref_slice %arg5[%mul3A_241] : memref<16xf32, #tpu.memory_space<hbm>> -> memref<8xf32, #tpu.memory_space<hbm>>
        %dma_wait3A_252 = arith.constant 0 : i32
        %dma_wait3A_253 = tpu.memref_slice %arg10[%dma_wait3A_252] : memref<16xf32, #tpu.memory_space<vmem>> -> memref<8xf32, #tpu.memory_space<vmem>>
        tpu.wait_dma2 semaphore(%run_scoped3A : memref<!tpu.dma_semaphore, #tpu.memory_space<semaphore_mem>>) src(%dma_wait3A_253 : memref<8xf32, #tpu.memory_space<vmem>>) dst(%dma_wait3A_251 : memref<8xf32, #tpu.memory_space<hbm>>)
        tpu.yield
      }) : () -> ()
    } else {
    }
    return
  }
}

</mosaic_0001>

<sc_bundles>
// kernel: _segment_energy.3.cloned.1.call-start
scs
__scs_entry_jumppad:
0x0: {  	(pc) =	sbr.rel $0x88, $3  }
0x1: {  	(tag) =	ssettag $0x0;
	lr =	simm.s32 $0x1  }
0x2: {  	[smem:$0x3F9E] =	sst lr;
	_ =	strace $0xD0000000  }
0x3: {  	_ = 	snop  }
0x4: {  	_ = 	snop  }
0x5: {  	_ = 	snop  }
0x6: {  	_ = 	snop  }
0x7: {  	_ = 	snop  }
__scs_overlays_trampoline_lowered:
0x8: {  	[smem:$0x3FAD] =	sst s0  }
0x9: {  	[smem:$0x3FAE] =	sst s1  }
0xa: {  	[smem:$0x3FAF] =	sst s2  }
0xb: {  	[smem:$0x3FB0] =	sst s3  }
0xc: {  	[smem:$0x3FB1] =	sst s4  }
0xd: {  	[smem:$0x3FB2] =	sst s5  }
0xe: {  	[smem:$0x3FB3] =	sst s6  }
0xf: {  	[smem:$0x3FB4] =	sst s7  }
0x10: {  	[smem:$0x3FB5] =	sst s8  }
0x11: {  	[smem:$0x3FB6] =	sst s9;
	s0 =	simm.s32 @!p0 $0x0  }
0x12: {  	s1 =	sld [smem:$0x3F9C];
	s0 =	simm.s32 @p0 $0x1  }
0x13: {  	[smem:$0x3FB7] =	sst s0;
	s0 =	simm.s32 @!p1 $0x0  }
0x14: {  	s2 =	sld [smem:$0x3F9B];
	s0 =	simm.s32 @p1 $0x1  }
0x15: {  	[smem:$0x3FB8] =	sst s0;
	s0 =	simm.s32 @!p2 $0x0  }
0x16: {  	s3 =	sld [smem:$0x3FDB];
	s0 =	simm.s32 @p2 $0x1  }
0x17: {  	s4 =	simm.s32 $0x1BF5;
	[smem:$0x3FBA] =	sst s0  }
0x18: {  	s0 =	sld [smem:$0x3F9D];
	_ =	swait.ge [sflag:s4], $0x0  }
0x19: {  	s7 =	sld [smem:$0x3F9E]  }
0x1a: {  	s8 =	sadd.s32 $0xFFFFE003, lr  }
0x1b: {  	s9 =	sadd.s32 $0xFFFFFEF7, lr;
	s5 =	simm.s32 $0xFFFFFFFF;
	p2 =	slt.u32 s8, $0xFFFFF086  }
0x1c: {  	p1 =	slt.u32 s9, $0xF7A;
	s5 =	simm.s32 @!p2 $0x0  }
0x1d: {  	s5 =	simm.s32 @p1 $0x1;
	p0 =	seq.s32 s7, s2  }
0x1e: {  	s7 =	smul.u32 @!p0 $0xF7A, s2;
	p2 =	seq.s32 @!p0 s5, $0x0  }
0x1f: {  	s9 =	smul.u32 $0xF7A, s1;
	s8 =	simm.s32 @!p0 $0x1BF5;
	p2 =	por !p2, p0  }
0x20: {  	[sflag:s8] =	ssyncset.s32 @!p0 $0xFFFFF086;
	s6 =	sadd.s32 @!p0 s3, s7;
	s7 =	simm.s32 @!p0 $0x108  }
0x21: {  	s3 =	sadd.s32 s3, s9;
	s6 =	sadd.s32 @!p0 $0x88, s6;
	s7 =	simm.s32 @p2 $0x1082  }
0x22: {  	[simem:s7], [sflag:s8] =	dma.local @!p0 [hbm:s6], $0xF7A  }
0x23: {  	s9 =	sor.u32 $0xD0000000, s2;
	s6 =	simm.s32 $0x108;
	_ =	swait.ge @!p0 [sflag:s8], $0x0  }
0x24: {  	s3 =	sadd.s32 $0x88, s3;
	s6 =	simm.s32 @!p1 $0x1082;
	[sflag:s4] =	ssyncset.s32 $0xFFFFF086  }
0x25: {  	[simem:s6], [sflag:s4] =	dma.local [hbm:s3], $0xF7A  }
0x26: {  	[smem:$0x3F9E] =	sst s1;
	(tag) =	ssettag s2;
	_ =	strace s9  }
0x27: {  	s1 =	sld [smem:$0x3FAE]  }
0x28: {  	s2 =	sld [smem:$0x3FAF]  }
0x29: {  	s4 =	sld [smem:$0x3FB1]  }
0x2a: {  	p0 =	seq.s32 s5, $0x0;
	s5 =	sld [smem:$0x3FB2]  }
0x2b: {  	s6 =	sld [smem:$0x3FB3]  }
0x2c: {  	s7 =	sld [smem:$0x3FB4]  }
0x2d: {  	s3 =	simm.s32 $0x108;
	s8 =	sld [smem:$0x3FB5]  }
0x2e: {  	s3 =	simm.s32 @!p0 $0x1082;
	s9 =	sld [smem:$0x3FB6]  }
0x2f: {  	lr =	sadd.s32 s0, s3;
	s0 =	sld [smem:$0x3FAD]  }
0x30: {  	s3 =	sld [smem:$0x3FB0]  }
0x31: {  	[smem:$0x3FB9] =	sst s10  }
0x32: {  	s10 =	sld [smem:$0x3FB7];
	_ =	sdelay $0x3  }
0x33: {  	p0 =	seq.s32 s10, $0x1;
	s10 =	sld [smem:$0x3FB9];
	_ =	sdelay $0x3  }
0x34: {  	[smem:$0x3FB9] =	sst s10  }
0x35: {  	s10 =	sld [smem:$0x3FB8];
	_ =	sdelay $0x3  }
0x36: {  	p1 =	seq.s32 s10, $0x1;
	s10 =	sld [smem:$0x3FB9];
	_ =	sdelay $0x3  }
0x37: {  	[smem:$0x3FB9] =	sst s10  }
0x38: {  	s10 =	sld [smem:$0x3FBA]  }
0x39: {  	_ = 	snop;
	(pc) =	sbr.ind lr, $3  }
0x3a: {  	_ = 	snop  }
0x3b: {  	_ = 	snop  }
0x3c: {  	p2 =	seq.s32 s10, $0x1;
	s10 =	sld [smem:$0x3FB9]  }
0x3d: {  	_ =	shalt  }
0x3e: {  	_ =	shalt  }
0x3f: {  	_ =	shalt  }
0x40: {  	_ =	shalt  }
0x41: {  	_ =	shalt  }
0x42: {  	_ =	shalt  }
0x43: {  	_ =	shalt  }
0x44: {  	_ =	shalt  }
0x45: {  	_ =	shalt  }
0x46: {  	_ =	shalt  }
0x47: {  	_ =	shalt  }
0x48: {  	_ =	shalt  }
0x49: {  	_ =	shalt  }
0x4a: {  	_ =	shalt  }
0x4b: {  	_ =	shalt  }
0x4c: {  	_ =	shalt  }
0x4d: {  	_ =	shalt  }
0x4e: {  	_ =	shalt  }
0x4f: {  	_ =	shalt  }
0x50: {  	_ =	shalt  }
0x51: {  	_ =	shalt  }
0x52: {  	_ =	shalt  }
0x53: {  	_ =	shalt  }
0x54: {  	_ =	shalt  }
0x55: {  	_ =	shalt  }
0x56: {  	_ =	shalt  }
0x57: {  	_ =	shalt  }
0x58: {  	_ =	shalt  }
0x59: {  	_ =	shalt  }
0x5a: {  	_ =	shalt  }
0x5b: {  	_ =	shalt  }
0x5c: {  	_ =	shalt  }
0x5d: {  	_ =	shalt  }
0x5e: {  	_ =	shalt  }
0x5f: {  	_ =	shalt  }
0x60: {  	_ =	shalt  }
0x61: {  	_ =	shalt  }
0x62: {  	_ =	shalt  }
0x63: {  	_ =	shalt  }
0x64: {  	_ =	shalt  }
0x65: {  	_ =	shalt  }
0x66: {  	_ =	shalt  }
0x67: {  	_ =	shalt  }
0x68: {  	_ =	shalt  }
0x69: {  	_ =	shalt  }
0x6a: {  	_ =	shalt  }
0x6b: {  	_ =	shalt  }
0x6c: {  	_ =	shalt  }
0x6d: {  	_ =	shalt  }
0x6e: {  	_ =	shalt  }
0x6f: {  	_ =	shalt  }
0x70: {  	_ =	shalt  }
0x71: {  	_ =	shalt  }
0x72: {  	_ =	shalt  }
0x73: {  	_ =	shalt  }
0x74: {  	_ =	shalt  }
0x75: {  	_ =	shalt  }
0x76: {  	_ =	shalt  }
0x77: {  	_ =	shalt  }
0x78: {  	_ =	shalt  }
0x79: {  	_ =	shalt  }
0x7a: {  	_ =	shalt  }
0x7b: {  	_ =	shalt  }
0x7c: {  	_ =	shalt  }
0x7d: {  	_ =	shalt  }
0x7e: {  	_ =	shalt  }
0x7f: {  	_ =	shalt  }
0x80: {  	_ =	shalt  }
0x81: {  	_ =	shalt  }
0x82: {  	_ =	shalt  }
0x83: {  	_ =	shalt  }
0x84: {  	_ =	shalt  }
0x85: {  	_ =	shalt  }
0x86: {  	_ =	shalt  }
0x87: {  	_ =	shalt  }
.Lfunc_end0:
.L_simem_size_0:
called_computation_lowered:
.L_overlay_start_0:
0x88: {  	s2 =	sld [smem:$0x3FD9]  }
0x89: {  	s3 =	sld [smem:$0x3FFE];
	_ =	sdelay $0x1  }
0x8a: {  	s1 =	srdreg.scid  }
0x8b: {  	s0 =	sand.u32 $0x1, s1  }
0x8c: {  	s17 =	sshll.u32 s0, $0xA;
	s2 =	sadd.s32 s3, s2  }
0x8d: {  	s2 =	sadd.s32 s2, s17  }
0x8e: {  	[smem:$0x3FC5] =	sst s2  }
0x8f: {  	_ = 	snop  }
0x90: {  	s2 =	sld [smem:$0x3FC9]  }
0x91: {  	s18 =	sld [smem:$0x3FC8]  }
0x92: {  	s4 =	sld [smem:$0x3FC7]  }
0x93: {  	s5 =	sld [smem:$0x3FD0];
	(tm) =	ssettm $0x1  }
0x94: {  	s6 =	sld [smem:$0x3FFB];
	_ =	sdelay $0x3  }
0x95: {  	_ =	strace s6  }
0x96: {  	s6 =	sld [smem:$0x3FFC];
	_ =	sdelay $0x3  }
0x97: {  	_ =	strace s6  }
0x98: {  	s6 =	sld [smem:$0x3FFD];
	_ =	sdelay $0x3  }
0x99: {  	_ =	strace s6  }
0x9a: {  	_ =	strace $0x8FFFFFFF  }
0x9b: {  	s19 =	sld [smem:$0x3FDB];
	_ =	sdelay $0x1  }
0x9c: {  	s7 =	simm.s32 $_scs_section_size  }
0x9d: {  	s8 =	simm.s32 $_size__tile_overlayer_lowered;
	s9 =	simm.s32 $_tile_overlayer_lowered  }
0x9e: {  	s22 =	simm.s32 $0x1BFF;
	s21 =	sshll.u32 s9, $0x1;
	s6 =	sadd.s32 s7, s19  }
0x9f: {  	s10 =	simm.s32 $0x0;
	s20 =	sshll.u32 s8, $0x1;
	s8 =	sadd.s32 s21, s6  }
0xa0: {  	[timem:s10], [sflag:s22] =	dma.local [hbm:s8], s20  }
0xa1: {  	_ =	swait.ge [sflag:s22], s20  }
0xa2: {  	s7 =	ssub.s32 $0x0, s20;
	[sflag:s22] =	ssyncset.done $0x0  }
0xa3: {  	[sflag:s22] =	ssyncadd.s32 s7;
	_ =	sdelay $0x1  }
0xa4: {  	s23 =	simm.s32 $0x1B8B  }
0xa5: {  	_ =	swait.ge [sflag:s23], $0x1  }
0xa6: {  	[sflag:s23] =	ssyncset.done $0x0  }
0xa7: {  	s25 =	simm.s32 $0x1B8E;
	s24 =	sld [smem:$0x3FFE];
	[sflag:s23] =	ssyncadd.s32 $0xFFFFFFFF  }
0xa8: {  	s26 =	simm.s32 $execute0_lowered;
	[smem:$0x3FD2] =	sst s25  }
0xa9: {  	s8 =	sshll.u32 s26, $0x1;
	_ =	strace $0x80000046;
	[dreg:$0x1] =	wrdreg $0xFFFFFFFF  }
0xaa: {  	s28 =	simm.s32 $_size_execute0_lowered;
	s6 =	sadd.s32 s6, s8;
	[dreg:$0x0] =	wrdreg $0x0  }
0xab: {  	s8 =	sshll.u32 s28, $0x1;
	[dreg:$0x2] =	wrdreg s6  }
0xac: {  	[dreg:$0x3] =	wrdreg s8  }
0xad: {  	[dreg:$0x4] =	wrdreg $0xC0  }
0xae: {  	_ =	task [dreg:s10], $0x5FFFF  }
0xaf: {  	[dreg:$0x1] =	wrdreg $0xFFFFFFFF  }
0xb0: {  	[dreg:$0x0] =	wrdreg $0x60  }
0xb1: {  	[dreg:$0x2] =	wrdreg s2  }
0xb2: {  	[dreg:$0x3] =	wrdreg s18  }
0xb3: {  	[dreg:$0x4] =	wrdreg s4  }
0xb4: {  	[dreg:$0x5] =	wrdreg s5  }
0xb5: {  	[dreg:$0x6] =	wrdreg s24  }
0xb6: {  	[dreg:$0x7] =	wrdreg $0x9  }
0xb7: {  	_ =	task.clear_ibuf [dreg:s10], $0x8FFFF;
	_ =	strace $0x90000046  }
0xb8: {  	s29 =	simm.s32 $0x9;
	_ =	strace $0x80000048  }
0xb9: {  	_ =	swait.ge [sflag:s29], $0x1  }
0xba: {  	[sflag:s29] =	ssyncadd.s32 $0xFFFFFFFF  }
0xbb: {  	_ =	strace $0x90000048  }
0xbc: {  	_ =	sfence  }
0xbd: {  	s30 =	sld [smem:$0x0];
	_ =	sdelay $0x2  }
0xbe: {  	s31 =	sshll.u32 s1, $0xD;
	s1 =	sshrl.u32 s1, $0x2  }
0xbf: {  	s3 =	sand.u32 $0x4000, s31;
	s1 =	sadd.s32 s1, s30  }
0xc0: {  	s0 =	sor.u32 s3, s0;
	s1 =	sshll.u32 s1, $0x11  }
0xc1: {  	s0 =	sor.u32 s1, s0  }
0xc2: {  	s0 =	sadd.s32 $0x8F2B, s0  }
0xc3: {  	[sflag:s0] =	ssyncadd.remote.s32 $0x1  }
0xc4: {  	_ =	sfence.sel $0xFFFF  }
0xc5: {  	[dreg:$0x0] =	wrdreg $0xFFFFFFFF;
	(pc) =	sbr.abs _section_cstart, $3  }
0xc6: {  	[dreg:$0x1] =	wrdreg $0xFFFFFFFF  }
0xc7: {  	_ =	task.clear_ibuf [dreg:s10], $0x2FFFF;
	_ =	strace $0x9FFFFFFF  }
0xc8: {  	(tm) =	ssettm $0x7FFFFFFF  }
0xc9: {  	_ =	shalt  }
tec
execute0_lowered:
.L_overlay_start_1:
0x0: {  	(tag) =	ssettag $0x1  }
0x1: {  	s2 =	rddreg [dreg:$0x0]  }
0x2: {  	s3 =	rddreg [dreg:$0x1]  }
0x3: {  	s4 =	rddreg [dreg:$0x2]  }
0x4: {  	s8 =	rddreg [dreg:$0x3]  }
0x5: {  	s5 =	rddreg [dreg:$0x4]  }
0x6: {  	s0 =	rddreg [dreg:$0x5];
	s6 =	srdreg.scid  }
0x7: {  	s1 =	simm.s32 $0x0;
	s15 =	stileid.u32;
	s14 =	simm.s32 $0x3  }
0x8: {  	s16 =	simm.s32 $0x4980;
	s17 =	simm.s32 $0x4;
	s18 =	simm.s32 $0x0  }
0x9: {  	s9 =	sand.u32 $0x1, s6;
	[smem:$0x7FF] =	sst s1;
	s7 =	smul.u32 $0x30E, s15  }
0xa: {  	p0 =	seq.s32 s15, $0xF;
	s11 =	sadd.s32 $0x800, s5;
	s13 =	sshll.u32 s15, $0x1  }
0xb: {  	v3 =	vlaneseq.u32;
	s5 =	simm.s32 $0x180;
	s6 =	ssub.s32 $0x2, s9;
	_ =	strace $0x80000047  }
0xc: {  	v5 =	vand.u32 $0x7, v3;
	s22 =	sshll.u32 s9, $0x3;
	s29 =	sshllo.u32 s9, $0x3;
	s30 =	sshll.u32 s9, $0x5  }
0xd: {  	v5 =	vmul.u32 $0x80, v5;
	v0 =	vmov s22;
	s23 =	sor.u32 $0x1, s22;
	s24 =	sor.u32 $0x2, s22;
	s25 =	sor.u32 $0x3, s22;
	v8 =	vmov s29  }
0xe: {  	s26 =	sor.u32 $0x4, s22;
	s12 =	sor.u32 $0x5, s22;
	s28 =	sor.u32 $0x6, s22;
	v1 =	vmov s23;
	v2 =	vmov s24;
	v3 =	vmov s25  }
0xf: {  	s31 =	sadd.s32 s11, s13;
	s5 =	simm.s32 @!p0 $0x0;
	s8 =	sadd.s32 s8, s9;
	v4 =	vmov s26;
	v6 =	vmov s12;
	v7 =	vmov s28  }
0x10: {  	s13 =	simm.s32 $0x2;
	s10 =	sshrl.u32 s6, $0x1;
	s7 =	simm.s32 @p0 $0x2DC6;
	v9 =	vor.u32 $0x1, v5;
	v10 =	vor.u32 $0x2, v5;
	v11 =	vor.u32 $0x3, v5  }
0x11: {  	p0 =	sne.s32 s15, $0x0;
	s15 =	simm.s32 $0x4A00;
	s10 =	ssub.s32 s6, s10;
	v12 =	vor.u32 $0x4, v5;
	v13 =	vor.u32 $0x5, v5;
	v14 =	vor.u32 $0x6, v5  }
0x12: {  	s2 =	sadd.s32 s2, s7;
	s3 =	sadd.s32 s3, s7;
	s4 =	sadd.s32 s4, s7;
	v15 =	vor.u32 $0x7, v5;
	v16 =	vor.u32 $0x8, v5;
	v17 =	vor.u32 $0x9, v5  }
0x13: {  	s6 =	sadd.s32 s30, s31;
	s7 =	sadd.s32 s11, s30;
	s11 =	simm.s32 $0x3100;
	v18 =	vor.u32 $0xA, v5;
	v19 =	vor.u32 $0xB, v5;
	v20 =	vor.u32 $0xC, v5  }
0x14: {  	s12 =	simm.s32 $0x1;
	v21 =	vor.u32 $0xD, v5;
	v22 =	vor.u32 $0xE, v5;
	v23 =	vor.u32 $0xF, v5;
	s9 =	smax.u32 s10, $0x1;
	s10 =	simm.s32 $0x1880  }
.LBB2_1:
0x15: {  	[tilespmem:s1], [sflag:$0x1] =	stream.linear.gather [hbm4b:s2+s1], $0x1870, $0x38;
	[tilespmem:$0x4F00] =	vst v63  }
0x16: {  	_ = 	snop  }
0x17: {  	[tilespmem:s10], [sflag:$0x2] =	stream.linear.gather [hbm4b:s3+s1], $0x1870, $0x38;
	[tilespmem:$0x4F00] =	vst v63  }
0x18: {  	_ = 	snop  }
0x19: {  	[tilespmem:s11], [sflag:$0x3] =	stream.linear.gather [hbm4b:s4+s1], $0x1870, $0x38;
	[tilespmem:$0x4F00] =	vst v63  }
0x1a: {  	_ =	swait.ge [sflag:s12], $0x1870  }
0x1b: {  	[sflag:s12] =	ssyncset.done $0x0  }
0x1c: {  	[sflag:s12] =	ssyncadd.s32 $0xFFFFE790  }
0x1d: {  	_ =	swait.ge [sflag:s13], $0x1870  }
0x1e: {  	[sflag:s13] =	ssyncset.done $0x0  }
0x1f: {  	[sflag:s13] =	ssyncadd.s32 $0xFFFFE790  }
0x20: {  	_ =	swait.ge [sflag:s14], $0x1870  }
0x21: {  	[sflag:s14] =	ssyncset.done $0x0  }
0x22: {  	s19 =	sshra.s32 s5, $0x2;
	[sflag:s14] =	ssyncadd.s32 $0xFFFFE790  }
0x23: {  	v26 =	vld [tilespmem:s19+$0x3110]  }
0x24: {  	v24 =	vld [tilespmem:s19+$0x10]  }
0x25: {  	v27 =	vld [tilespmem:s19+$0x1890]  }
0x26: {  	v28 =	vld [tilespmem:s19+$0x3100]  }
0x27: {  	v25 =	vimm.f32 $0.0e+00;
	v31 =	vimm.f32 $0.0e+00;
	v29 =	vld [tilespmem:s19+$0x0]  }
0x28: {  	v32 =	vimm.f32 $0.0e+00;
	v30 =	vld [tilespmem:s19+$0x1880];
	vm6 =	veq.s32 v26, v0;
	vm7 =	veq.s32 v26, v1  }
0x29: {  	vm8 =	veq.s32 v26, v2;
	vm9 =	veq.s32 v26, v3;
	vm10 =	veq.s32 v26, v4  }
0x2a: {  	p1 =	sne.s32 s5, $0x6100;
	vm11 =	veq.s32 v26, v6;
	v24 =	vmul.f32 v27, v24;
	vm1 =	veq.s32 v26, v7  }
.Ltmp0:
0x2b: {  	vm0 =	veq.s32 v26, v8;
	vm13 =	veq.s32 v28, v0;
	vm14 =	veq.s32 v28, v1;
	(pc) =	sbr.rel @!p1 .LBB2_3-.Ltmp0, $4  }
0x2c: {  	vm15 =	veq.s32 v28, v2;
	vm12 =	veq.s32 v28, v3;
	vm5 =	veq.s32 v28, v4  }
0x2d: {  	vm4 =	veq.s32 v28, v6;
	v33 =	vmul.f32 v30, v29;
	vm3 =	veq.s32 v28, v7  }
0x2e: {  	vm2 =	veq.s32 v28, v8;
	v30 =	vimm.f32 $0.0e+00;
	v26 =	vimm.f32 $0.0e+00  }
0x2f: {  	s19 =	sadd.s32 $0x80, s5;
	v29 =	vimm.f32 $0.0e+00;
	v27 =	vimm.f32 $0.0e+00;
	v28 =	vimm.f32 $0.0e+00  }
.LBB2_2:
0x30: {  	p1 =	sne.s32 s19, $0x6100;
	v34 =	vnsel vm6, $0x0, v24;
	v35 =	vnsel vm7, $0x0, v24;
	v36 =	vnsel vm8, $0x0, v24  }
0x31: {  	v37 =	vnsel vm9, $0x0, v24;
	v38 =	vnsel vm10, $0x0, v24;
	v39 =	vnsel vm11, $0x0, v24  }
0x32: {  	v40 =	vnsel vm13, $0x0, v33;
	v41 =	vnsel vm14, $0x0, v33;
	v42 =	vnsel vm15, $0x0, v33  }
0x33: {  	v25 =	vadd.f32 v40, v25;
	v30 =	vadd.f32 v41, v30;
	v40 =	vnsel vm12, $0x0, v33  }
0x34: {  	v31 =	vadd.f32 v42, v31;
	v32 =	vadd.f32 v40, v32;
	v40 =	vnsel vm5, $0x0, v33  }
0x35: {  	s20 =	sshra.s32 s19, $0x2;
	v41 =	vnsel vm4, $0x0, v33;
	v25 =	vadd.f32 v34, v25;
	v30 =	vadd.f32 v35, v30  }
0x36: {  	v35 =	vnsel vm3, $0x0, v33;
	v31 =	vadd.f32 v36, v31;
	v32 =	vadd.f32 v37, v32;
	v34 =	vld [tilespmem:s20+$0x3110]  }
0x37: {  	v29 =	vadd.f32 v41, v29;
	v26 =	vadd.f32 v40, v26;
	v33 =	vnsel vm2, $0x0, v33;
	v36 =	vld [tilespmem:s20+$0x10]  }
0x38: {  	v27 =	vadd.f32 v35, v27;
	v28 =	vadd.f32 v33, v28;
	v33 =	vnsel vm1, $0x0, v24;
	v37 =	vld [tilespmem:s20+$0x1890]  }
0x39: {  	v29 =	vadd.f32 v39, v29;
	v24 =	vnsel vm0, $0x0, v24;
	v26 =	vadd.f32 v38, v26;
	v35 =	vld [tilespmem:s20+$0x3100]  }
0x3a: {  	v27 =	vadd.f32 v33, v27;
	v28 =	vadd.f32 v24, v28;
	v38 =	vld [tilespmem:s20+$0x0]  }
0x3b: {  	v33 =	vld [tilespmem:s20+$0x1880];
	vm6 =	veq.s32 v34, v0;
	vm7 =	veq.s32 v34, v1;
	vm8 =	veq.s32 v34, v2  }
.Ltmp1:
0x3c: {  	vm9 =	veq.s32 v34, v3;
	vm10 =	veq.s32 v34, v4;
	vm11 =	veq.s32 v34, v6;
	(pc) =	sbr.rel @p1 .LBB2_2-.Ltmp1, $4  }
0x3d: {  	vm1 =	veq.s32 v34, v7;
	vm0 =	veq.s32 v34, v8;
	v24 =	vmul.f32 v37, v36  }
0x3e: {  	vm13 =	veq.s32 v35, v0;
	vm14 =	veq.s32 v35, v1;
	vm15 =	veq.s32 v35, v2  }
0x3f: {  	vm12 =	veq.s32 v35, v3;
	vm5 =	veq.s32 v35, v4;
	vm4 =	veq.s32 v35, v6  }
0x40: {  	s19 =	sadd.s32 $0x80, s19;
	vm3 =	veq.s32 v35, v7;
	vm2 =	veq.s32 v35, v8;
	v33 =	vmul.f32 v33, v38  }
.LBB2_3:
0x41: {  	v34 =	vnsel vm6, $0x0, v24;
	v35 =	vnsel vm7, $0x0, v24;
	v36 =	vnsel vm8, $0x0, v24  }
0x42: {  	v37 =	vnsel vm9, $0x0, v24;
	v40 =	vnsel vm13, $0x0, v33;
	v41 =	vnsel vm14, $0x0, v33  }
0x43: {  	v42 =	vnsel vm15, $0x0, v33;
	v56 =	vnsel vm12, $0x0, v33;
	v58 =	vnsel vm5, $0x0, v33  }
0x44: {  	v57 =	vld [tilespmem:$0x1860];
	v60 =	vnsel vm4, $0x0, v33;
	v25 =	vadd.f32 v40, v25;
	v30 =	vadd.f32 v41, v30  }
0x45: {  	v59 =	vld [tilespmem:$0x30E0];
	v62 =	vnsel vm3, $0x0, v33;
	v31 =	vadd.f32 v42, v31;
	v32 =	vadd.f32 v56, v32  }
0x46: {  	v61 =	vld [tilespmem:$0x4960];
	v63 =	vnsel vm2, $0x0, v33;
	v26 =	vadd.f32 v58, v26;
	v29 =	vadd.f32 v60, v29  }
0x47: {  	v38 =	vnsel vm10, $0x0, v24;
	v27 =	vadd.f32 v62, v27;
	v28 =	vadd.f32 v63, v28  }
0x48: {  	v39 =	vnsel vm11, $0x0, v24;
	v25 =	vadd.f32 v34, v25;
	v30 =	vadd.f32 v35, v30  }
0x49: {  	v40 =	vnsel vm0, $0x0, v24;
	v31 =	vadd.f32 v36, v31;
	v32 =	vadd.f32 v37, v32  }
0x4a: {  	v37 =	vnsel vm1, $0x0, v24;
	v29 =	vadd.f32 v39, v29;
	v39 =	vmul.f32 v59, v57  }
0x4b: {  	v26 =	vadd.f32 v38, v26;
	v24 =	vadd.f32 v40, v28;
	vm8 =	veq.s32 v61, v0  }
0x4c: {  	v27 =	vadd.f32 v37, v27;
	vm9 =	veq.s32 v61, v1;
	v41 =	vnsel vm8, $0x0, v39  }
0x4d: {  	vm10 =	veq.s32 v61, v2;
	v42 =	vnsel vm9, $0x0, v39;
	v25 =	vadd.f32 v41, v25  }
0x4e: {  	vm11 =	veq.s32 v61, v3;
	v43 =	vnsel vm10, $0x0, v39;
	v28 =	vadd.f32 v42, v30  }
0x4f: {  	vm12 =	veq.s32 v61, v4;
	v44 =	vnsel vm11, $0x0, v39;
	v30 =	vadd.f32 v43, v31;
	[tilespmem:$0x4A00] =	vst v25  }
0x50: {  	vm14 =	veq.s32 v61, v7;
	v46 =	vnsel vm12, $0x0, v39;
	v45 =	vadd.f32 v44, v32;
	[tilespmem:$0x4A80] =	vst v28  }
0x51: {  	vm15 =	veq.s32 v61, v8;
	v48 =	vnsel vm14, $0x0, v39;
	v26 =	vadd.f32 v46, v26;
	[tilespmem:$0x4B00] =	vst v30  }
0x52: {  	vm13 =	veq.s32 v61, v6;
	v50 =	vnsel vm15, $0x0, v39;
	v49 =	vadd.f32 v48, v27;
	[tilespmem:$0x4B80] =	vst v45  }
0x53: {  	v47 =	vnsel vm13, $0x0, v39;
	v24 =	vadd.f32 v50, v24;
	[tilespmem:$0x4C00] =	vst v26  }
0x54: {  	v28 =	vadd.f32 v47, v29;
	[tilespmem:$0x4D00] =	vst v49  }
0x55: {  	[tilespmem:$0x4D80] =	vst v24  }
0x56: {  	[tilespmem:$0x4C80] =	vst v28  }
0x57: {  	v24 =	vld.idx.msk [tilespmem:v5+s15+$0x0], $0xffff;
	_ =	sdelay $0x1  }
0x58: {  	v25 =	vld.idx.msk [tilespmem:v9+s15+$0x0], $0xffff;
	_ =	sdelay $0x1  }
0x59: {  	v26 =	vld.idx.msk [tilespmem:v10+s15+$0x0], $0xffff  }
0x5a: {  	v24 =	vadd.f32 $0.0e+00, v24  }
0x5b: {  	v51 =	vld.idx.msk [tilespmem:v11+s15+$0x0], $0xffff  }
0x5c: {  	v24 =	vadd.f32 v25, v24  }
0x5d: {  	v52 =	vld.idx.msk [tilespmem:v12+s15+$0x0], $0xffff  }
0x5e: {  	v24 =	vadd.f32 v26, v24  }
0x5f: {  	v53 =	vld.idx.msk [tilespmem:v13+s15+$0x0], $0xffff  }
0x60: {  	v24 =	vadd.f32 v51, v24  }
0x61: {  	v54 =	vld.idx.msk [tilespmem:v14+s15+$0x0], $0xffff  }
0x62: {  	v24 =	vadd.f32 v52, v24  }
0x63: {  	v55 =	vld.idx.msk [tilespmem:v15+s15+$0x0], $0xffff  }
0x64: {  	v24 =	vadd.f32 v53, v24  }
0x65: {  	v56 =	vld.idx.msk [tilespmem:v16+s15+$0x0], $0xffff  }
0x66: {  	v24 =	vadd.f32 v54, v24  }
0x67: {  	v57 =	vld.idx.msk [tilespmem:v17+s15+$0x0], $0xffff  }
0x68: {  	v24 =	vadd.f32 v55, v24  }
0x69: {  	v58 =	vld.idx.msk [tilespmem:v18+s15+$0x0], $0xffff  }
0x6a: {  	v24 =	vadd.f32 v56, v24  }
0x6b: {  	v59 =	vld.idx.msk [tilespmem:v19+s15+$0x0], $0xffff  }
0x6c: {  	v24 =	vadd.f32 v57, v24  }
0x6d: {  	v60 =	vld.idx.msk [tilespmem:v20+s15+$0x0], $0xffff  }
0x6e: {  	v24 =	vadd.f32 v58, v24  }
0x6f: {  	v61 =	vld.idx.msk [tilespmem:v21+s15+$0x0], $0xffff  }
0x70: {  	v24 =	vadd.f32 v59, v24  }
0x71: {  	v62 =	vld.idx.msk [tilespmem:v22+s15+$0x0], $0xffff  }
0x72: {  	v24 =	vadd.f32 v60, v24  }
0x73: {  	v63 =	vld.idx.msk [tilespmem:v23+s15+$0x0], $0xffff  }
0x74: {  	v24 =	vadd.f32 v61, v24;
	_ =	sdelay $0x1  }
0x75: {  	v24 =	vadd.f32 v62, v24;
	_ =	sdelay $0x1  }
0x76: {  	v24 =	vadd.f32 v63, v24;
	_ =	sdelay $0x1  }
0x77: {  	[tilespmem:$0x4980] =	vst v24  }
0x78: {  	[hbm4b:s6+s1] =	stream.linear.scatter [tilespmem:s16], [sflag:$0x4], $0x10, $0x38;
	[tilespmem:$0x4F00] =	vst v63  }
0x79: {  	_ =	swait.ge [sflag:s17], $0x10  }
0x7a: {  	[sflag:s17] =	ssyncset.done $0x0  }
0x7b: {  	[sflag:s17] =	ssyncadd.s32 $0xFFFFFFF0  }
0x7c: {  	s19 =	simm.s32 @!p0 $0x0;
	s20 =	simm.s32 @!p0 $0x4E00;
	[bflag:$0x0] =	sbarrier.arrive $0xFFFF  }
0x7d: {  	[tilespmem:s20], [sflag:$0x4] =	stream.linear.gather @!p0 [hbm4b:s7+s19], $0x100, $0x38;
	[tilespmem:$0x4F00] =	vst v63  }
0x7e: {  	s20 =	simm.s32 @!p0 $0x4  }
0x7f: {  	_ =	swait.ge @!p0 [sflag:s20], $0x100  }
0x80: {  	[sflag:s20] =	ssyncset.done @!p0 $0x0  }
0x81: {  	[sflag:s20] =	ssyncadd.s32 @!p0 $0xFFFFFF00  }
0x82: {  	v24 =	vld @!p0 [tilespmem:$0x4E00]  }
0x83: {  	v25 =	vld @!p0 [tilespmem:$0x4E10];
	_ =	sdelay $0x1  }
0x84: {  	v26 =	vld @!p0 [tilespmem:$0x4E20];
	_ =	sdelay $0x1  }
0x85: {  	v27 =	vld @!p0 [tilespmem:$0x4E30]  }
0x86: {  	v24 =	vadd.f32 @!p0 v25, v24  }
0x87: {  	v25 =	vld @!p0 [tilespmem:$0x4E40]  }
0x88: {  	v24 =	vadd.f32 @!p0 v26, v24  }
0x89: {  	v26 =	vld @!p0 [tilespmem:$0x4E50]  }
0x8a: {  	v24 =	vadd.f32 @!p0 v27, v24  }
0x8b: {  	v27 =	vld @!p0 [tilespmem:$0x4E60]  }
0x8c: {  	v24 =	vadd.f32 @!p0 v25, v24  }
0x8d: {  	v25 =	vld @!p0 [tilespmem:$0x4E70]  }
0x8e: {  	v24 =	vadd.f32 @!p0 v26, v24  }
0x8f: {  	v26 =	vld @!p0 [tilespmem:$0x4E80]  }
0x90: {  	v24 =	vadd.f32 @!p0 v27, v24  }
0x91: {  	v27 =	vld @!p0 [tilespmem:$0x4E90]  }
0x92: {  	v24 =	vadd.f32 @!p0 v25, v24  }
0x93: {  	v25 =	vld @!p0 [tilespmem:$0x4EA0]  }
0x94: {  	v24 =	vadd.f32 @!p0 v26, v24  }
0x95: {  	v26 =	vld @!p0 [tilespmem:$0x4EB0]  }
0x96: {  	v24 =	vadd.f32 @!p0 v27, v24  }
0x97: {  	v27 =	vld @!p0 [tilespmem:$0x4EC0]  }
0x98: {  	v24 =	vadd.f32 @!p0 v25, v24  }
0x99: {  	v25 =	vld @!p0 [tilespmem:$0x4ED0]  }
0x9a: {  	v24 =	vadd.f32 @!p0 v26, v24  }
0x9b: {  	v26 =	vld @!p0 [tilespmem:$0x4EE0]  }
0x9c: {  	v24 =	vadd.f32 @!p0 v27, v24  }
0x9d: {  	v27 =	vld @!p0 [tilespmem:$0x4EF0]  }
0x9e: {  	v24 =	vadd.f32 @!p0 v25, v24;
	_ =	sdelay $0x1  }
0x9f: {  	v24 =	vadd.f32 @!p0 v26, v24;
	_ =	sdelay $0x1  }
0xa0: {  	s18 =	sadd.s32 $0x1, s18;
	v24 =	vadd.f32 @!p0 v27, v24  }
0xa1: {  	p1 =	sne.s32 s18, s9  }
.Ltmp2:
0xa2: {  	s21 =	simm.s32 @!p0 $0x4980;
	[tilespmem:$0x4980] =	vst @!p0 v24;
	(pc) =	sbr.rel @p1 .LBB2_1-.Ltmp2, $4  }
0xa3: {  	[hbm4b:s8+s19] =	stream.linear.scatter @!p0 [tilespmem:s21], [sflag:$0x4], $0x8, $0x38;
	[tilespmem:$0x4F00] =	vst v63  }
0xa4: {  	_ =	swait.ge @!p0 [sflag:s20], $0x8  }
0xa5: {  	[sflag:s20] =	ssyncset.done @!p0 $0x0  }
0xa6: {  	[sflag:s20] =	ssyncadd.s32 @!p0 $0xFFFFFFF8  }
0xa7: {  	_ =	sfence.sel $0x180000  }
0xa8: {  	[bflag:$0x0] =	sbarrier.arrive $0xFFFF  }
0xa9: {  	_ =	strace $0x90000047  }
0xaa: {  	s0 =	sadd.s32 @!p0 $0x100000, s0;
	[bflag:$0x2] =	sbarrier.arrive $0xFFFF  }
0xab: {  	[sflag:s0] =	ssyncadd.tile.s32 @!p0 $0x1;
	_ =	shalt  }
.Lfunc_end2:
_tile_overlayer_lowered:
.L_overlay_start_2:
0xac: {  	(tag) =	ssettag $0x2  }
0xad: {  	s0 =	rddreg [dreg:$0x0];
	s2 =	stileid.u32  }
0xae: {  	s1 =	rddreg [dreg:$0x1];
	p0 =	sne.s32 s2, $0x0  }
0xaf: {  	s3 =	rddreg [dreg:$0x2];
	[bflag:$0x3] =	sbarrier.arrive $0xFFFF;
	s2 =	simm.s32 @!p0 $0x1C04  }
0xb0: {  	[timem:s3], [sflag:s2] =	dma.local @!p0 [hbm:s0], s1  }
0xb1: {  	s0 =	simm.s32 @!p0 $0x4  }
0xb2: {  	_ =	swait.ge @!p0 [sflag:s0], s1  }
0xb3: {  	s1 =	ssub.s32 @!p0 $0x0, s1;
	[sflag:s0] =	ssyncset.done @!p0 $0x0  }
0xb4: {  	[sflag:s0] =	ssyncadd.s32 @!p0 s1  }
0xb5: {  	[bflag:$0x3] =	sbarrier.arrive $0xFFFF  }
0xb6: {  	_ =	shalt  }

</sc_bundles>
